<compile_context>
chip_gen: v7x
topology: tpu7x:2x2x1
jax: 0.10.2.dev20260603
libtpu: 0.0.44.dev20260713+nightly
codegen_flags: <defaults>
</compile_context>

<pallas_src>
import jax
import jax.numpy as jnp
from jax import lax
from jax.experimental import pallas as pl
from jax.experimental.pallas import tpu as pltpu
from jax.experimental.pallas import tpu_sc as plsc

N = 10000
E = 160000
D = 256
DH = 128
RW = 0.001

NC = 2
NS = 16
HALF = N // NC
ROWS_PER_TILE = 320
PAD = NS * ROWS_PER_TILE
TRASH = HALF
EPT = E // NS
G = 80
STEPS = EPT // G
SB = 64


def _sc_body(x2_hbm, src_hbm, dst_hbm, out_hbm, src_v, dst_v, rows_v,
             stage_v, sem0, sem1, agg_sh):
  c = lax.axis_index("c")
  s = lax.axis_index("s")

  zero16 = jnp.zeros((16,), jnp.float32)

  def zrow(i, _):
    def zcol(j, _):
      stage_v[i, pl.ds(j * 16, 16)] = zero16
      return 0
    return lax.fori_loop(0, DH // 16, zcol, 0)

  lax.fori_loop(0, SB, zrow, 0)

  pltpu.sync_copy(dst_hbm.at[c, s], dst_v)

  for p in range(2):
    pltpu.sync_copy(src_hbm.at[p, s], src_v)
    def zs(q, _):
      pltpu.sync_copy(stage_v,
                      agg_sh.at[pl.ds(s * ROWS_PER_TILE + q * SB, SB)])
      return 0

    lax.fori_loop(0, ROWS_PER_TILE // SB, zs, 0)
    plsc.subcore_barrier()

    pltpu.async_copy(x2_hbm.at[src_v.at[0]], rows_v.at[0], sem0)

    def step(j, _):
      even = lax.rem(j, 2) == 0

      @pl.when((j + 1 < STEPS) & even)
      def _():
        pltpu.async_copy(x2_hbm.at[src_v.at[j + 1]], rows_v.at[1],
                         sem1)

      @pl.when((j + 1 < STEPS) & jnp.logical_not(even))
      def _():
        pltpu.async_copy(x2_hbm.at[src_v.at[j + 1]], rows_v.at[0],
                         sem0)

      @pl.when(even)
      def _():
        pltpu.make_async_copy(x2_hbm.at[src_v.at[j]], rows_v.at[0],
                              sem0).wait()
        pltpu.sync_copy(rows_v.at[0], agg_sh.at[dst_v.at[j]], add=True)

      @pl.when(jnp.logical_not(even))
      def _():
        pltpu.make_async_copy(x2_hbm.at[src_v.at[j]], rows_v.at[1],
                              sem1).wait()
        pltpu.sync_copy(rows_v.at[1], agg_sh.at[dst_v.at[j]], add=True)

      return 0

    lax.fori_loop(0, STEPS, step, 0)
    plsc.subcore_barrier()

    def co(q, _):
      pltpu.sync_copy(agg_sh.at[pl.ds(s * ROWS_PER_TILE + q * SB, SB)],
                      stage_v)
      pltpu.sync_copy(stage_v,
                      out_hbm.at[c, p, pl.ds(s * ROWS_PER_TILE + q * SB, SB)])
      return 0

    lax.fori_loop(0, ROWS_PER_TILE // SB, co, 0)
    if p == 0:
      lax.fori_loop(0, SB, zrow, 0)


@jax.jit
def _segment_sum_sc(x2, src4, dst4):
  mesh = plsc.VectorSubcoreMesh(core_axis_name="c", subcore_axis_name="s",
                                num_cores=NC, num_subcores=NS)
  f = pl.kernel(
      _sc_body,
      out_type=jax.ShapeDtypeStruct((NC, 2, PAD, DH), jnp.float32),
      mesh=mesh,
      scratch_types=[
          pltpu.VMEM((STEPS, G), jnp.int32),
          pltpu.VMEM((STEPS, G), jnp.int32),
          pltpu.VMEM((2, G, DH), jnp.float32),
          pltpu.VMEM((SB, DH), jnp.float32),
          pltpu.SemaphoreType.DMA,
          pltpu.SemaphoreType.DMA,
          pltpu.VMEM_SHARED((PAD, DH), jnp.float32),
      ],
  )
  return f(x2, src4, dst4)


def _tc_body(x_ref, agg_ref, wl1, wr1, wres1, wl2, wr2, wres2,
             bl1, bres1, bl2, bres2, loc_ref, scale_ref):
  ap = agg_ref[...]
  a1 = RW * wl1[...]
  b1 = RW * wr1[...] + (1.0 - RW) * wres1[...]
  a2 = RW * wl2[...]
  b2 = RW * wr2[...] + (1.0 - RW) * wres2[...]
  c1 = RW * bl1[...] + (1.0 - RW) * bres1[...]
  c2 = RW * bl2[...] + (1.0 - RW) * bres2[...]
  hs = jnp.concatenate([ap[0, 0], ap[0, 1], x_ref[...]], axis=1)
  wcat = jnp.concatenate(
      [jnp.concatenate([a1, b1], axis=1),
       jnp.concatenate([a2, b2], axis=1)], axis=0)
  hall = lax.dot_general(hs, wcat, (((1,), (1,)), ((), ())),
                         preferred_element_type=jnp.float32)
  h1 = hall[:, :D] + c1
  h2 = hall[:, D:] + c2
  loc_ref[...] = jnp.clip(h1, -100.0, 100.0)
  scale_ref[...] = jnp.minimum(jax.nn.softplus(h2) + 0.001, 100.0)


@jax.jit
def _dense_tc(x, agg, W_l1, W_r1, W_res1, W_l2, W_r2, W_res2,
              b_l1, b_res1, b_l2, b_res2):
  bm = 1000
  grid = (N // bm,)
  nb = HALF // bm
  row = pl.BlockSpec((bm, D), lambda i: (i, 0))
  rowp = pl.BlockSpec((1, 2, bm, DH), lambda i: (i // nb, 0, i % nb, 0))
  full = pl.BlockSpec((D, D), lambda i: (0, 0))
  vec = pl.BlockSpec((1, D), lambda i: (0, 0))
  return pl.pallas_call(
      _tc_body,
      grid=grid,
      in_specs=[row, rowp, full, full, full, full, full, full,
                vec, vec, vec, vec],
      out_specs=[row, row],
      out_shape=[jax.ShapeDtypeStruct((N, D), jnp.float32),
                 jax.ShapeDtypeStruct((N, D), jnp.float32)],
  )(x, agg, W_l1, W_r1, W_res1, W_l2, W_r2, W_res2,
    b_l1.reshape(1, D), b_res1.reshape(1, D),
    b_l2.reshape(1, D), b_res2.reshape(1, D))


def kernel(x, edge_index, W_l1, b_l1, W_r1, W_res1, b_res1,
           W_l2, b_l2, W_r2, W_res2, b_res2):
  src = edge_index[0]
  dst = edge_index[1]
  src4 = jnp.stack([2 * src, 2 * src + 1]).reshape(2, NS, STEPS, G)
  dst_c0 = jnp.where(dst < HALF, dst, TRASH)
  dst_c1 = jnp.where(dst >= HALF, dst - HALF, TRASH)
  dst4 = jnp.stack([dst_c0, dst_c1]).reshape(NC, NS, STEPS, G)
  x2 = x.reshape(2 * N, DH)

  agg_pad = _segment_sum_sc(x2, src4, dst4)

  loc, scale = _dense_tc(x, agg_pad, W_l1, W_r1, W_res1, W_l2, W_r2,
                         W_res2, b_l1, b_res1, b_l2, b_res2)
  return (loc, scale)

# --- scband reference (transcript-rebuilt; emitter-appended) ---
"""Pipeline reference for scband-diag-graph-sagenet-residual-25460566130864 (READ-ONLY COPY).

The authoritative reference and input builder live on the scoring server;
editing this copy changes nothing except your own understanding.
"""

import jax, jax.numpy as jnp
import numpy as np

N = 10000
E = 160000
D_IN = 256
D_OUT = 256
RW = 0.001


def setup_inputs(seed: int = 0) -> dict:
    key = jax.random.key(seed)
    ks = jax.random.split(key, 12)
    s_in = 1.0 / np.sqrt(D_IN)
    x = jax.random.normal(ks[0], (N, D_IN), dtype=jnp.float32)
    edge_index = jax.random.randint(ks[1], (2, E), 0, N, dtype=jnp.int32)
    # SAGEConv params for layer 1 (loc head): lin_l (with bias), lin_r (no bias)
    W_l1 = jax.random.normal(ks[2], (D_OUT, D_IN), dtype=jnp.float32) * s_in
    b_l1 = jnp.zeros((D_OUT,), dtype=jnp.float32)
    W_r1 = jax.random.normal(ks[3], (D_OUT, D_IN), dtype=jnp.float32) * s_in
    W_res1 = jax.random.normal(ks[4], (D_OUT, D_IN), dtype=jnp.float32) * s_in
    b_res1 = jax.random.normal(ks[5], (D_OUT,), dtype=jnp.float32) * s_in
    # SAGEConv params for layer 2 (scale head)
    W_l2 = jax.random.normal(ks[6], (D_OUT, D_IN), dtype=jnp.float32) * s_in
    b_l2 = jnp.zeros((D_OUT,), dtype=jnp.float32)
    W_r2 = jax.random.normal(ks[7], (D_OUT, D_IN), dtype=jnp.float32) * s_in
    W_res2 = jax.random.normal(ks[8], (D_OUT, D_IN), dtype=jnp.float32) * s_in
    b_res2 = jax.random.normal(ks[9], (D_OUT,), dtype=jnp.float32) * s_in
    return {
        "x": x, "edge_index": edge_index,
        "W_l1": W_l1, "b_l1": b_l1, "W_r1": W_r1, "W_res1": W_res1, "b_res1": b_res1,
        "W_l2": W_l2, "b_l2": b_l2, "W_r2": W_r2, "W_res2": W_res2, "b_res2": b_res2,
    }


def _sage_conv(x, edge_index, W_l, b_l, W_r):
    # PyG SAGEConv with aggr='sum': out = lin_l(sum_{j in N(i)} x_j) + lin_r(x_i)
    src = edge_index[0]
    dst = edge_index[1]
    msg = jnp.take(x, src, axis=0)
    agg = jax.ops.segment_sum(msg, dst, num_segments=x.shape[0])
    return agg @ W_l.T + b_l + x @ W_r.T


def _layer(x, edge_index, W_l, b_l, W_r, W_res, b_res):
    h_sage = _sage_conv(x, edge_index, W_l, b_l, W_r)
    h_res = x @ W_res.T + b_res
    return RW * h_sage + (1.0 - RW) * h_res


def reference(x, edge_index, W_l1, b_l1, W_r1, W_res1, b_res1, W_l2, b_l2, W_r2, W_res2, b_res2):
    loc = jnp.clip(_layer(x, edge_index, W_l1, b_l1, W_r1, W_res1, b_res1), -100.0, 100.0)
    h2 = _layer(x, edge_index, W_l2, b_l2, W_r2, W_res2, b_res2)
    scale = jnp.minimum(jax.nn.softplus(h2) + 0.001, 100.0)
    return (loc, scale)

if __name__ == "__main__":
    import jax
    _d = setup_inputs()
    print(jax.jit(kernel)(*tuple(_d.values())))

</pallas_src>

<mosaic_0001>
#map = affine_map<(d0, d1) -> (0, 0)>
#map1 = affine_map<(d0, d1) -> (0, 0, 0, 0)>
module attributes {stable_mosaic.version = 14 : i64} {
  func.func @_sc_body(%arg0: i32, %arg1: i32, %arg2: memref<20000x128xf32, #tpu.memory_space<hbm>>, %arg3: memref<2x16x125x80xi32, #tpu.memory_space<hbm>>, %arg4: memref<2x16x125x80xi32, #tpu.memory_space<hbm>>, %arg5: memref<2x2x5120x128xf32, #tpu.memory_space<hbm>>, %arg6: memref<125x80xi32, #tpu.memory_space<vmem>>, %arg7: memref<125x80xi32, #tpu.memory_space<vmem>>, %arg8: memref<2x80x128xf32, #tpu.memory_space<vmem>>, %arg9: memref<64x128xf32, #tpu.memory_space<vmem>>, %arg10: memref<!tpu.dma_semaphore, #tpu.memory_space<semaphore_mem>>, %arg11: memref<!tpu.dma_semaphore, #tpu.memory_space<semaphore_mem>>, %arg12: memref<5120x128xf32, #tpu.memory_space<vmem_shared>>) attributes {dimension_semantics = [#tpu.dimension_semantics<core_parallel>, #tpu.dimension_semantics<subcore_parallel>], iteration_bounds = array<i64: 2, 16>, scalar_prefetch = 0 : i64, scratch_operands = 7 : i64, tpu.core_type = #tpu.core_type<sc_vector_subcore>, window_params = [{transform_indices = #map}, {transform_indices = #map1}, {transform_indices = #map1}, {transform_indices = #map1}]} {
    %broadcast_in_dim3A = arith.constant 0.000000e+00 : f32
    %broadcast_in_dim3A_0 = vector.broadcast %broadcast_in_dim3A : f32 to vector<16xf32>
    %scan3A = arith.constant 0 : i32
    %scan3A_1 = arith.constant 0 : i32
    %scan3A_2 = arith.constant 64 : i32
    %scan3A_3 = arith.addi %scan3A_1, %scan3A_2 : i32
    %scan3A_4 = arith.constant 1 : i32
    %scan3A_5 = scf.for %scan3A_83 = %scan3A_1 to %scan3A_3 step %scan3A_4 iter_args(%scan3A_84 = %scan3A) -> (i32)  : i32 {
      %scan3A_85 = arith.constant 0 : i32
      %scan3A_86 = arith.constant 0 : i32
      %scan3A_87 = arith.constant 8 : i32
      %scan3A_88 = arith.addi %scan3A_86, %scan3A_87 : i32
      %scan3A_89 = arith.constant 1 : i32
      %scan3A_90 = scf.for %scan3A_92 = %scan3A_86 to %scan3A_88 step %scan3A_89 iter_args(%scan3A_93 = %scan3A_85) -> (i32)  : i32 {
        %mul3A = arith.constant 16 : i32
        %mul3A_94 = arith.muli %scan3A_92, %mul3A : i32
        %swap3A = arith.index_cast %scan3A_83 : i32 to index
        %swap3A_95 = arith.index_cast %mul3A_94 : i32 to index
        %swap3A_96 = tpu.vector_load %arg9[%swap3A, %swap3A_95] {strides = array<i32>} : memref<64x128xf32, #tpu.memory_space<vmem>>, vector<1x16xf32>,
        %swap3A_97 = vector.shape_cast %swap3A_96 : vector<1x16xf32> to vector<16xf32>
        %swap3A_98 = vector.shape_cast %broadcast_in_dim3A_0 : vector<16xf32> to vector<1x16xf32>
        tpu.vector_store %arg9[%swap3A, %swap3A_95], %swap3A_98 {strides = array<i32>} : memref<64x128xf32, #tpu.memory_space<vmem>>, vector<1x16xf32>,
        %scan3A_99 = arith.constant 0 : i32
        scf.yield %scan3A_99 : i32
      }
      %scan3A_91 = arith.constant 8 : i32
      scf.yield %scan3A_90 : i32
    }
    %scan3A_6 = arith.constant 64 : i32
    "tpu.region"() ({
      %run_scoped3A_83 = tpu.sem_alloc : memref<!tpu.dma_semaphore, #tpu.memory_space<semaphore_mem>>
      %dma_start3A_84 = arith.constant 0 : i32
      %dma_start3A_85 = arith.constant 0 : i32
      %dma_start3A_86 = tpu.memref_slice %arg4[%arg0, %arg1, %dma_start3A_84, %dma_start3A_85] : memref<2x16x125x80xi32, #tpu.memory_space<hbm>> -> memref<1x1x125x80xi32, #tpu.memory_space<hbm>>
      %dma_start3A_87 = tpu.memref_squeeze %dma_start3A_86 : memref<1x1x125x80xi32, #tpu.memory_space<hbm>> -> memref<125x80xi32, #tpu.memory_space<hbm>>
      %dma_start3A_88 = arith.constant 0 : i32
      %dma_start3A_89 = arith.constant 0 : i32
      %dma_start3A_90 = tpu.memref_slice %arg4[%arg0, %arg1, %dma_start3A_88, %dma_start3A_89] : memref<2x16x125x80xi32, #tpu.memory_space<hbm>> -> memref<1x1x125x80xi32, #tpu.memory_space<hbm>>
      %dma_start3A_91 = tpu.memref_squeeze %dma_start3A_90 : memref<1x1x125x80xi32, #tpu.memory_space<hbm>> -> memref<125x80xi32, #tpu.memory_space<hbm>>
      tpu.enqueue_dma source(%dma_start3A_91 : memref<125x80xi32, #tpu.memory_space<hbm>>) target(%arg7 : memref<125x80xi32, #tpu.memory_space<vmem>>) target_semaphore(%run_scoped3A_83 : memref<!tpu.dma_semaphore, #tpu.memory_space<semaphore_mem>>)
      %dma_wait3A = arith.constant 0 : i32
      %dma_wait3A_92 = arith.constant 0 : i32
      %dma_wait3A_93 = tpu.memref_slice %arg4[%arg0, %arg1, %dma_wait3A, %dma_wait3A_92] : memref<2x16x125x80xi32, #tpu.memory_space<hbm>> -> memref<1x1x125x80xi32, #tpu.memory_space<hbm>>
      %dma_wait3A_94 = tpu.memref_squeeze %dma_wait3A_93 : memref<1x1x125x80xi32, #tpu.memory_space<hbm>> -> memref<125x80xi32, #tpu.memory_space<hbm>>
      %dma_wait3A_95 = arith.constant 0 : i32
      %dma_wait3A_96 = arith.constant 0 : i32
      %dma_wait3A_97 = tpu.memref_slice %arg4[%arg0, %arg1, %dma_wait3A_95, %dma_wait3A_96] : memref<2x16x125x80xi32, #tpu.memory_space<hbm>> -> memref<1x1x125x80xi32, #tpu.memory_space<hbm>>
      %dma_wait3A_98 = tpu.memref_squeeze %dma_wait3A_97 : memref<1x1x125x80xi32, #tpu.memory_space<hbm>> -> memref<125x80xi32, #tpu.memory_space<hbm>>
      tpu.wait_dma2 semaphore(%run_scoped3A_83 : memref<!tpu.dma_semaphore, #tpu.memory_space<semaphore_mem>>) src(%dma_wait3A_98 : memref<125x80xi32, #tpu.memory_space<hbm>>) dst(%arg7 : memref<125x80xi32, #tpu.memory_space<vmem>>)
      tpu.yield
    }) : () -> ()
    %run_scoped3A = arith.constant 0 : i32
    "tpu.region"() ({
      %run_scoped3A_83 = tpu.sem_alloc : memref<!tpu.dma_semaphore, #tpu.memory_space<semaphore_mem>>
      %dma_start3A_84 = arith.constant 0 : i32
      %dma_start3A_85 = arith.constant 0 : i32
      %dma_start3A_86 = tpu.memref_slice %arg3[%run_scoped3A, %arg1, %dma_start3A_84, %dma_start3A_85] : memref<2x16x125x80xi32, #tpu.memory_space<hbm>> -> memref<1x1x125x80xi32, #tpu.memory_space<hbm>>
      %dma_start3A_87 = tpu.memref_squeeze %dma_start3A_86 : memref<1x1x125x80xi32, #tpu.memory_space<hbm>> -> memref<125x80xi32, #tpu.memory_space<hbm>>
      %dma_start3A_88 = arith.constant 0 : i32
      %dma_start3A_89 = arith.constant 0 : i32
      %dma_start3A_90 = tpu.memref_slice %arg3[%run_scoped3A, %arg1, %dma_start3A_88, %dma_start3A_89] : memref<2x16x125x80xi32, #tpu.memory_space<hbm>> -> memref<1x1x125x80xi32, #tpu.memory_space<hbm>>
      %dma_start3A_91 = tpu.memref_squeeze %dma_start3A_90 : memref<1x1x125x80xi32, #tpu.memory_space<hbm>> -> memref<125x80xi32, #tpu.memory_space<hbm>>
      tpu.enqueue_dma source(%dma_start3A_91 : memref<125x80xi32, #tpu.memory_space<hbm>>) target(%arg6 : memref<125x80xi32, #tpu.memory_space<vmem>>) target_semaphore(%run_scoped3A_83 : memref<!tpu.dma_semaphore, #tpu.memory_space<semaphore_mem>>)
      %dma_wait3A = arith.constant 0 : i32
      %dma_wait3A_92 = arith.constant 0 : i32
      %dma_wait3A_93 = tpu.memref_slice %arg3[%run_scoped3A, %arg1, %dma_wait3A, %dma_wait3A_92] : memref<2x16x125x80xi32, #tpu.memory_space<hbm>> -> memref<1x1x125x80xi32, #tpu.memory_space<hbm>>
      %dma_wait3A_94 = tpu.memref_squeeze %dma_wait3A_93 : memref<1x1x125x80xi32, #tpu.memory_space<hbm>> -> memref<125x80xi32, #tpu.memory_space<hbm>>
      %dma_wait3A_95 = arith.constant 0 : i32
      %dma_wait3A_96 = arith.constant 0 : i32
      %dma_wait3A_97 = tpu.memref_slice %arg3[%run_scoped3A, %arg1, %dma_wait3A_95, %dma_wait3A_96] : memref<2x16x125x80xi32, #tpu.memory_space<hbm>> -> memref<1x1x125x80xi32, #tpu.memory_space<hbm>>
      %dma_wait3A_98 = tpu.memref_squeeze %dma_wait3A_97 : memref<1x1x125x80xi32, #tpu.memory_space<hbm>> -> memref<125x80xi32, #tpu.memory_space<hbm>>
      tpu.wait_dma2 semaphore(%run_scoped3A_83 : memref<!tpu.dma_semaphore, #tpu.memory_space<semaphore_mem>>) src(%dma_wait3A_98 : memref<125x80xi32, #tpu.memory_space<hbm>>) dst(%arg6 : memref<125x80xi32, #tpu.memory_space<vmem>>)
      tpu.yield
    }) : () -> ()
    %scan3A_7 = arith.constant 0 : i32
    %scan3A_8 = arith.constant 0 : i32
    %scan3A_9 = arith.constant 5 : i32
    %scan3A_10 = arith.addi %scan3A_8, %scan3A_9 : i32
    %scan3A_11 = arith.constant 1 : i32
    %scan3A_12 = scf.for %scan3A_83 = %scan3A_8 to %scan3A_10 step %scan3A_11 iter_args(%scan3A_84 = %scan3A_7) -> (i32)  : i32 {
      %mul3A = arith.constant 320 : i32
      %mul3A_85 = arith.muli %arg1, %mul3A : i32
      %mul3A_86 = arith.constant 64 : i32
      %mul3A_87 = arith.muli %scan3A_83, %mul3A_86 : i32
      %add3A = arith.addi %mul3A_85, %mul3A_87 : i32
      "tpu.region"() ({
        %run_scoped3A_89 = tpu.sem_alloc : memref<!tpu.dma_semaphore, #tpu.memory_space<semaphore_mem>>
        %dma_start3A_90 = arith.constant 0 : i32
        %dma_start3A_91 = tpu.memref_slice %arg12[%add3A, %dma_start3A_90] : memref<5120x128xf32, #tpu.memory_space<vmem_shared>> -> memref<64x128xf32, #tpu.memory_space<vmem_shared>>
        %dma_start3A_92 = arith.constant 0 : i32
        %dma_start3A_93 = tpu.memref_slice %arg12[%add3A, %dma_start3A_92] : memref<5120x128xf32, #tpu.memory_space<vmem_shared>> -> memref<64x128xf32, #tpu.memory_space<vmem_shared>>
        tpu.enqueue_dma source(%arg9 : memref<64x128xf32, #tpu.memory_space<vmem>>) target(%dma_start3A_93 : memref<64x128xf32, #tpu.memory_space<vmem_shared>>) target_semaphore(%run_scoped3A_89 : memref<!tpu.dma_semaphore, #tpu.memory_space<semaphore_mem>>)
        %dma_wait3A = arith.constant 0 : i32
        %dma_wait3A_94 = tpu.memref_slice %arg12[%add3A, %dma_wait3A] : memref<5120x128xf32, #tpu.memory_space<vmem_shared>> -> memref<64x128xf32, #tpu.memory_space<vmem_shared>>
        %dma_wait3A_95 = arith.constant 0 : i32
        %dma_wait3A_96 = tpu.memref_slice %arg12[%add3A, %dma_wait3A_95] : memref<5120x128xf32, #tpu.memory_space<vmem_shared>> -> memref<64x128xf32, #tpu.memory_space<vmem_shared>>
        tpu.wait_dma2 semaphore(%run_scoped3A_89 : memref<!tpu.dma_semaphore, #tpu.memory_space<semaphore_mem>>) src(%arg9 : memref<64x128xf32, #tpu.memory_space<vmem>>) dst(%dma_wait3A_96 : memref<64x128xf32, #tpu.memory_space<vmem_shared>>)
        tpu.yield
      }) : () -> ()
      %scan3A_88 = arith.constant 0 : i32
      scf.yield %scan3A_88 : i32
    }
    %scan3A_13 = arith.constant 5 : i32
    %barrier3A = arith.constant 0 : index
    tpu.barrier barrier_id(%barrier3A)
    %dma_start3A = arith.constant 0 : i32
    %dma_start3A_14 = arith.constant 0 : i32
    %dma_start3A_15 = arith.constant 0 : i32
    %dma_start3A_16 = arith.constant 0 : i32
    %dma_start3A_17 = tpu.memref_slice %arg8[%dma_start3A_14, %dma_start3A_15, %dma_start3A_16] : memref<2x80x128xf32, #tpu.memory_space<vmem>> -> memref<1x80x128xf32, #tpu.memory_space<vmem>>
    %dma_start3A_18 = tpu.memref_squeeze %dma_start3A_17 : memref<1x80x128xf32, #tpu.memory_space<vmem>> -> memref<80x128xf32, #tpu.memory_space<vmem>>
    %dma_start3A_19 = arith.constant 0 : i32
    %dma_start3A_20 = tpu.memref_slice %arg6[%dma_start3A, %dma_start3A_19] : memref<125x80xi32, #tpu.memory_space<vmem>> -> memref<1x80xi32, #tpu.memory_space<vmem>>
    %dma_start3A_21 = tpu.memref_squeeze %dma_start3A_20 : memref<1x80xi32, #tpu.memory_space<vmem>> -> memref<80xi32, #tpu.memory_space<vmem>>
    %dma_start3A_22 = arith.constant 0 : i32
    %dma_start3A_23 = arith.constant 0 : i32
    %dma_start3A_24 = tpu.memref_slice %arg2[%dma_start3A_22, %dma_start3A_23] : memref<20000x128xf32, #tpu.memory_space<hbm>> -> memref<20000x128xf32, #tpu.memory_space<hbm>>
    tpu.enqueue_indirect_dma source(%dma_start3A_24 : memref<20000x128xf32, #tpu.memory_space<hbm>>) target(%dma_start3A_18 : memref<80x128xf32, #tpu.memory_space<vmem>>) offsets(%dma_start3A_21 : memref<80xi32, #tpu.memory_space<vmem>>) semaphore(%arg10 : memref<!tpu.dma_semaphore, #tpu.memory_space<semaphore_mem>>)
    %scan3A_25 = arith.constant 0 : i32
    %scan3A_26 = arith.constant 0 : i32
    %scan3A_27 = arith.constant 125 : i32
    %scan3A_28 = arith.addi %scan3A_26, %scan3A_27 : i32
    %scan3A_29 = arith.constant 1 : i32
    %scan3A_30 = scf.for %scan3A_83 = %scan3A_26 to %scan3A_28 step %scan3A_29 iter_args(%scan3A_84 = %scan3A_25) -> (i32)  : i32 {
      %rem3A = arith.constant 2 : i32
      %rem3A_85 = arith.remsi %scan3A_83, %rem3A : i32
      %eq3A = arith.constant 0 : i32
      %eq3A_86 = arith.cmpi eq, %rem3A_85, %eq3A : i32
      %add3A = arith.constant 1 : i32
      %add3A_87 = arith.addi %scan3A_83, %add3A : i32
      %lt3A = arith.constant 125 : i32
      %lt3A_88 = arith.cmpi slt, %add3A_87, %lt3A : i32
      %and3A = arith.andi %lt3A_88, %eq3A_86 : i1
      %convert_element_type3A = arith.extui %and3A : i1 to i32
      %cond3A = arith.constant 0 : i32
      %cond3A_89 = arith.cmpi ne, %convert_element_type3A, %cond3A : i32
      scf.if %cond3A_89 {
        %add3A_108 = arith.constant 1 : i32
        %add3A_109 = arith.addi %scan3A_83, %add3A_108 : i32
        %dma_start3A_110 = arith.constant 1 : i32
        %dma_start3A_111 = arith.constant 0 : i32
        %dma_start3A_112 = arith.constant 0 : i32
        %dma_start3A_113 = tpu.memref_slice %arg8[%dma_start3A_110, %dma_start3A_111, %dma_start3A_112] : memref<2x80x128xf32, #tpu.memory_space<vmem>> -> memref<1x80x128xf32, #tpu.memory_space<vmem>>
        %dma_start3A_114 = tpu.memref_squeeze %dma_start3A_113 : memref<1x80x128xf32, #tpu.memory_space<vmem>> -> memref<80x128xf32, #tpu.memory_space<vmem>>
        %dma_start3A_115 = arith.constant 0 : i32
        %dma_start3A_116 = tpu.memref_slice %arg6[%add3A_109, %dma_start3A_115] : memref<125x80xi32, #tpu.memory_space<vmem>> -> memref<1x80xi32, #tpu.memory_space<vmem>>
        %dma_start3A_117 = tpu.memref_squeeze %dma_start3A_116 : memref<1x80xi32, #tpu.memory_space<vmem>> -> memref<80xi32, #tpu.memory_space<vmem>>
        %dma_start3A_118 = arith.constant 0 : i32
        %dma_start3A_119 = arith.constant 0 : i32
        %dma_start3A_120 = tpu.memref_slice %arg2[%dma_start3A_118, %dma_start3A_119] : memref<20000x128xf32, #tpu.memory_space<hbm>> -> memref<20000x128xf32, #tpu.memory_space<hbm>>
        tpu.enqueue_indirect_dma source(%dma_start3A_120 : memref<20000x128xf32, #tpu.memory_space<hbm>>) target(%dma_start3A_114 : memref<80x128xf32, #tpu.memory_space<vmem>>) offsets(%dma_start3A_117 : memref<80xi32, #tpu.memory_space<vmem>>) semaphore(%arg11 : memref<!tpu.dma_semaphore, #tpu.memory_space<semaphore_mem>>)
      } else {
      }
      %add3A_90 = arith.constant 1 : i32
      %add3A_91 = arith.addi %scan3A_83, %add3A_90 : i32
      %lt3A_92 = arith.constant 125 : i32
      %lt3A_93 = arith.cmpi slt, %add3A_91, %lt3A_92 : i32
      %not3A = arith.constant true
      %not3A_94 = arith.xori %eq3A_86, %not3A : i1
      %and3A_95 = arith.andi %lt3A_93, %not3A_94 : i1
      %convert_element_type3A_96 = arith.extui %and3A_95 : i1 to i32
      %cond3A_97 = arith.constant 0 : i32
      %cond3A_98 = arith.cmpi ne, %convert_element_type3A_96, %cond3A_97 : i32
      scf.if %cond3A_98 {
        %add3A_108 = arith.constant 1 : i32
        %add3A_109 = arith.addi %scan3A_83, %add3A_108 : i32
        %dma_start3A_110 = arith.constant 0 : i32
        %dma_start3A_111 = arith.constant 0 : i32
        %dma_start3A_112 = arith.constant 0 : i32
        %dma_start3A_113 = tpu.memref_slice %arg8[%dma_start3A_110, %dma_start3A_111, %dma_start3A_112] : memref<2x80x128xf32, #tpu.memory_space<vmem>> -> memref<1x80x128xf32, #tpu.memory_space<vmem>>
        %dma_start3A_114 = tpu.memref_squeeze %dma_start3A_113 : memref<1x80x128xf32, #tpu.memory_space<vmem>> -> memref<80x128xf32, #tpu.memory_space<vmem>>
        %dma_start3A_115 = arith.constant 0 : i32
        %dma_start3A_116 = tpu.memref_slice %arg6[%add3A_109, %dma_start3A_115] : memref<125x80xi32, #tpu.memory_space<vmem>> -> memref<1x80xi32, #tpu.memory_space<vmem>>
        %dma_start3A_117 = tpu.memref_squeeze %dma_start3A_116 : memref<1x80xi32, #tpu.memory_space<vmem>> -> memref<80xi32, #tpu.memory_space<vmem>>
        %dma_start3A_118 = arith.constant 0 : i32
        %dma_start3A_119 = arith.constant 0 : i32
        %dma_start3A_120 = tpu.memref_slice %arg2[%dma_start3A_118, %dma_start3A_119] : memref<20000x128xf32, #tpu.memory_space<hbm>> -> memref<20000x128xf32, #tpu.memory_space<hbm>>
        tpu.enqueue_indirect_dma source(%dma_start3A_120 : memref<20000x128xf32, #tpu.memory_space<hbm>>) target(%dma_start3A_114 : memref<80x128xf32, #tpu.memory_space<vmem>>) offsets(%dma_start3A_117 : memref<80xi32, #tpu.memory_space<vmem>>) semaphore(%arg10 : memref<!tpu.dma_semaphore, #tpu.memory_space<semaphore_mem>>)
      } else {
      }
      %convert_element_type3A_99 = arith.extui %eq3A_86 : i1 to i32
      %cond3A_100 = arith.constant 0 : i32
      %cond3A_101 = arith.cmpi ne, %convert_element_type3A_99, %cond3A_100 : i32
      scf.if %cond3A_101 {
        %dma_wait3A = arith.constant 0 : i32
        %dma_wait3A_108 = arith.constant 0 : i32
        %dma_wait3A_109 = arith.constant 0 : i32
        %dma_wait3A_110 = tpu.memref_slice %arg8[%dma_wait3A, %dma_wait3A_108, %dma_wait3A_109] : memref<2x80x128xf32, #tpu.memory_space<vmem>> -> memref<1x80x128xf32, #tpu.memory_space<vmem>>
        %dma_wait3A_111 = tpu.memref_squeeze %dma_wait3A_110 : memref<1x80x128xf32, #tpu.memory_space<vmem>> -> memref<80x128xf32, #tpu.memory_space<vmem>>
        %dma_wait3A_112 = arith.constant 0 : i32
        %dma_wait3A_113 = tpu.memref_slice %arg6[%scan3A_83, %dma_wait3A_112] : memref<125x80xi32, #tpu.memory_space<vmem>> -> memref<1x80xi32, #tpu.memory_space<vmem>>
        %dma_wait3A_114 = tpu.memref_squeeze %dma_wait3A_113 : memref<1x80xi32, #tpu.memory_space<vmem>> -> memref<80xi32, #tpu.memory_space<vmem>>
        %dma_wait3A_115 = arith.constant 0 : i32
        %dma_wait3A_116 = arith.constant 0 : i32
        %dma_wait3A_117 = tpu.memref_slice %arg2[%dma_wait3A_115, %dma_wait3A_116] : memref<20000x128xf32, #tpu.memory_space<hbm>> -> memref<20000x128xf32, #tpu.memory_space<hbm>>
        tpu.wait_indirect_dma semaphore(%arg10 : memref<!tpu.dma_semaphore, #tpu.memory_space<semaphore_mem>>) src(%dma_wait3A_117 : memref<20000x128xf32, #tpu.memory_space<hbm>>) dst(%dma_wait3A_111 : memref<80x128xf32, #tpu.memory_space<vmem>>)
        %run_scoped3A_118 = arith.constant 0 : i32
        "tpu.region"() ({
          %run_scoped3A_119 = tpu.sem_alloc : memref<!tpu.dma_semaphore, #tpu.memory_space<semaphore_mem>>
          %dma_start3A_120 = arith.constant 0 : i32
          %dma_start3A_121 = arith.constant 0 : i32
          %dma_start3A_122 = tpu.memref_slice %arg8[%run_scoped3A_118, %dma_start3A_120, %dma_start3A_121] : memref<2x80x128xf32, #tpu.memory_space<vmem>> -> memref<1x80x128xf32, #tpu.memory_space<vmem>>
          %dma_start3A_123 = tpu.memref_squeeze %dma_start3A_122 : memref<1x80x128xf32, #tpu.memory_space<vmem>> -> memref<80x128xf32, #tpu.memory_space<vmem>>
          %dma_start3A_124 = arith.constant 0 : i32
          %dma_start3A_125 = tpu.memref_slice %arg7[%scan3A_83, %dma_start3A_124] : memref<125x80xi32, #tpu.memory_space<vmem>> -> memref<1x80xi32, #tpu.memory_space<vmem>>
          %dma_start3A_126 = tpu.memref_squeeze %dma_start3A_125 : memref<1x80xi32, #tpu.memory_space<vmem>> -> memref<80xi32, #tpu.memory_space<vmem>>
          %dma_start3A_127 = arith.constant 0 : i32
          %dma_start3A_128 = arith.constant 0 : i32
          %dma_start3A_129 = tpu.memref_slice %arg12[%dma_start3A_127, %dma_start3A_128] : memref<5120x128xf32, #tpu.memory_space<vmem_shared>> -> memref<5120x128xf32, #tpu.memory_space<vmem_shared>>
          tpu.enqueue_indirect_dma source(%dma_start3A_123 : memref<80x128xf32, #tpu.memory_space<vmem>>) target(%dma_start3A_129 : memref<5120x128xf32, #tpu.memory_space<vmem_shared>>) offsets(%dma_start3A_126 : memref<80xi32, #tpu.memory_space<vmem>>) semaphore(%run_scoped3A_119 : memref<!tpu.dma_semaphore, #tpu.memory_space<semaphore_mem>>) {add = true}
          %dma_wait3A_130 = arith.constant 0 : i32
          %dma_wait3A_131 = arith.constant 0 : i32
          %dma_wait3A_132 = tpu.memref_slice %arg8[%run_scoped3A_118, %dma_wait3A_130, %dma_wait3A_131] : memref<2x80x128xf32, #tpu.memory_space<vmem>> -> memref<1x80x128xf32, #tpu.memory_space<vmem>>
          %dma_wait3A_133 = tpu.memref_squeeze %dma_wait3A_132 : memref<1x80x128xf32, #tpu.memory_space<vmem>> -> memref<80x128xf32, #tpu.memory_space<vmem>>
          %dma_wait3A_134 = arith.constant 0 : i32
          %dma_wait3A_135 = tpu.memref_slice %arg7[%scan3A_83, %dma_wait3A_134] : memref<125x80xi32, #tpu.memory_space<vmem>> -> memref<1x80xi32, #tpu.memory_space<vmem>>
          %dma_wait3A_136 = tpu.memref_squeeze %dma_wait3A_135 : memref<1x80xi32, #tpu.memory_space<vmem>> -> memref<80xi32, #tpu.memory_space<vmem>>
          %dma_wait3A_137 = arith.constant 0 : i32
          %dma_wait3A_138 = arith.constant 0 : i32
          %dma_wait3A_139 = tpu.memref_slice %arg12[%dma_wait3A_137, %dma_wait3A_138] : memref<5120x128xf32, #tpu.memory_space<vmem_shared>> -> memref<5120x128xf32, #tpu.memory_space<vmem_shared>>
          tpu.wait_indirect_dma semaphore(%run_scoped3A_119 : memref<!tpu.dma_semaphore, #tpu.memory_space<semaphore_mem>>) src(%dma_wait3A_133 : memref<80x128xf32, #tpu.memory_space<vmem>>) dst(%dma_wait3A_139 : memref<5120x128xf32, #tpu.memory_space<vmem_shared>>)
          tpu.yield
        }) : () -> ()
      } else {
      }
      %not3A_102 = arith.constant true
      %not3A_103 = arith.xori %eq3A_86, %not3A_102 : i1
      %convert_element_type3A_104 = arith.extui %not3A_103 : i1 to i32
      %cond3A_105 = arith.constant 0 : i32
      %cond3A_106 = arith.cmpi ne, %convert_element_type3A_104, %cond3A_105 : i32
      scf.if %cond3A_106 {
        %dma_wait3A = arith.constant 1 : i32
        %dma_wait3A_108 = arith.constant 0 : i32
        %dma_wait3A_109 = arith.constant 0 : i32
        %dma_wait3A_110 = tpu.memref_slice %arg8[%dma_wait3A, %dma_wait3A_108, %dma_wait3A_109] : memref<2x80x128xf32, #tpu.memory_space<vmem>> -> memref<1x80x128xf32, #tpu.memory_space<vmem>>
        %dma_wait3A_111 = tpu.memref_squeeze %dma_wait3A_110 : memref<1x80x128xf32, #tpu.memory_space<vmem>> -> memref<80x128xf32, #tpu.memory_space<vmem>>
        %dma_wait3A_112 = arith.constant 0 : i32
        %dma_wait3A_113 = tpu.memref_slice %arg6[%scan3A_83, %dma_wait3A_112] : memref<125x80xi32, #tpu.memory_space<vmem>> -> memref<1x80xi32, #tpu.memory_space<vmem>>
        %dma_wait3A_114 = tpu.memref_squeeze %dma_wait3A_113 : memref<1x80xi32, #tpu.memory_space<vmem>> -> memref<80xi32, #tpu.memory_space<vmem>>
        %dma_wait3A_115 = arith.constant 0 : i32
        %dma_wait3A_116 = arith.constant 0 : i32
        %dma_wait3A_117 = tpu.memref_slice %arg2[%dma_wait3A_115, %dma_wait3A_116] : memref<20000x128xf32, #tpu.memory_space<hbm>> -> memref<20000x128xf32, #tpu.memory_space<hbm>>
        tpu.wait_indirect_dma semaphore(%arg11 : memref<!tpu.dma_semaphore, #tpu.memory_space<semaphore_mem>>) src(%dma_wait3A_117 : memref<20000x128xf32, #tpu.memory_space<hbm>>) dst(%dma_wait3A_111 : memref<80x128xf32, #tpu.memory_space<vmem>>)
        %run_scoped3A_118 = arith.constant 1 : i32
        "tpu.region"() ({
          %run_scoped3A_119 = tpu.sem_alloc : memref<!tpu.dma_semaphore, #tpu.memory_space<semaphore_mem>>
          %dma_start3A_120 = arith.constant 0 : i32
          %dma_start3A_121 = arith.constant 0 : i32
          %dma_start3A_122 = tpu.memref_slice %arg8[%run_scoped3A_118, %dma_start3A_120, %dma_start3A_121] : memref<2x80x128xf32, #tpu.memory_space<vmem>> -> memref<1x80x128xf32, #tpu.memory_space<vmem>>
          %dma_start3A_123 = tpu.memref_squeeze %dma_start3A_122 : memref<1x80x128xf32, #tpu.memory_space<vmem>> -> memref<80x128xf32, #tpu.memory_space<vmem>>
          %dma_start3A_124 = arith.constant 0 : i32
          %dma_start3A_125 = tpu.memref_slice %arg7[%scan3A_83, %dma_start3A_124] : memref<125x80xi32, #tpu.memory_space<vmem>> -> memref<1x80xi32, #tpu.memory_space<vmem>>
          %dma_start3A_126 = tpu.memref_squeeze %dma_start3A_125 : memref<1x80xi32, #tpu.memory_space<vmem>> -> memref<80xi32, #tpu.memory_space<vmem>>
          %dma_start3A_127 = arith.constant 0 : i32
          %dma_start3A_128 = arith.constant 0 : i32
          %dma_start3A_129 = tpu.memref_slice %arg12[%dma_start3A_127, %dma_start3A_128] : memref<5120x128xf32, #tpu.memory_space<vmem_shared>> -> memref<5120x128xf32, #tpu.memory_space<vmem_shared>>
          tpu.enqueue_indirect_dma source(%dma_start3A_123 : memref<80x128xf32, #tpu.memory_space<vmem>>) target(%dma_start3A_129 : memref<5120x128xf32, #tpu.memory_space<vmem_shared>>) offsets(%dma_start3A_126 : memref<80xi32, #tpu.memory_space<vmem>>) semaphore(%run_scoped3A_119 : memref<!tpu.dma_semaphore, #tpu.memory_space<semaphore_mem>>) {add = true}
          %dma_wait3A_130 = arith.constant 0 : i32
          %dma_wait3A_131 = arith.constant 0 : i32
          %dma_wait3A_132 = tpu.memref_slice %arg8[%run_scoped3A_118, %dma_wait3A_130, %dma_wait3A_131] : memref<2x80x128xf32, #tpu.memory_space<vmem>> -> memref<1x80x128xf32, #tpu.memory_space<vmem>>
          %dma_wait3A_133 = tpu.memref_squeeze %dma_wait3A_132 : memref<1x80x128xf32, #tpu.memory_space<vmem>> -> memref<80x128xf32, #tpu.memory_space<vmem>>
          %dma_wait3A_134 = arith.constant 0 : i32
          %dma_wait3A_135 = tpu.memref_slice %arg7[%scan3A_83, %dma_wait3A_134] : memref<125x80xi32, #tpu.memory_space<vmem>> -> memref<1x80xi32, #tpu.memory_space<vmem>>
          %dma_wait3A_136 = tpu.memref_squeeze %dma_wait3A_135 : memref<1x80xi32, #tpu.memory_space<vmem>> -> memref<80xi32, #tpu.memory_space<vmem>>
          %dma_wait3A_137 = arith.constant 0 : i32
          %dma_wait3A_138 = arith.constant 0 : i32
          %dma_wait3A_139 = tpu.memref_slice %arg12[%dma_wait3A_137, %dma_wait3A_138] : memref<5120x128xf32, #tpu.memory_space<vmem_shared>> -> memref<5120x128xf32, #tpu.memory_space<vmem_shared>>
          tpu.wait_indirect_dma semaphore(%run_scoped3A_119 : memref<!tpu.dma_semaphore, #tpu.memory_space<semaphore_mem>>) src(%dma_wait3A_133 : memref<80x128xf32, #tpu.memory_space<vmem>>) dst(%dma_wait3A_139 : memref<5120x128xf32, #tpu.memory_space<vmem_shared>>)
          tpu.yield
        }) : () -> ()
      } else {
      }
      %scan3A_107 = arith.constant 0 : i32
      scf.yield %scan3A_107 : i32
    }
    %scan3A_31 = arith.constant 125 : i32
    %barrier3A_32 = arith.constant 0 : index
    tpu.barrier barrier_id(%barrier3A_32)
    %scan3A_33 = arith.constant 0 : i32
    %scan3A_34 = arith.constant 0 : i32
    %scan3A_35 = arith.constant 5 : i32
    %scan3A_36 = arith.addi %scan3A_34, %scan3A_35 : i32
    %scan3A_37 = arith.constant 1 : i32
    %scan3A_38 = scf.for %scan3A_83 = %scan3A_34 to %scan3A_36 step %scan3A_37 iter_args(%scan3A_84 = %scan3A_33) -> (i32)  : i32 {
      %mul3A = arith.constant 320 : i32
      %mul3A_85 = arith.muli %arg1, %mul3A : i32
      %mul3A_86 = arith.constant 64 : i32
      %mul3A_87 = arith.muli %scan3A_83, %mul3A_86 : i32
      %add3A = arith.addi %mul3A_85, %mul3A_87 : i32
      "tpu.region"() ({
        %run_scoped3A_95 = tpu.sem_alloc : memref<!tpu.dma_semaphore, #tpu.memory_space<semaphore_mem>>
        %dma_start3A_96 = arith.constant 0 : i32
        %dma_start3A_97 = tpu.memref_slice %arg12[%add3A, %dma_start3A_96] : memref<5120x128xf32, #tpu.memory_space<vmem_shared>> -> memref<64x128xf32, #tpu.memory_space<vmem_shared>>
        %dma_start3A_98 = arith.constant 0 : i32
        %dma_start3A_99 = tpu.memref_slice %arg12[%add3A, %dma_start3A_98] : memref<5120x128xf32, #tpu.memory_space<vmem_shared>> -> memref<64x128xf32, #tpu.memory_space<vmem_shared>>
        tpu.enqueue_dma source(%dma_start3A_99 : memref<64x128xf32, #tpu.memory_space<vmem_shared>>) target(%arg9 : memref<64x128xf32, #tpu.memory_space<vmem>>) target_semaphore(%run_scoped3A_95 : memref<!tpu.dma_semaphore, #tpu.memory_space<semaphore_mem>>)
        %dma_wait3A = arith.constant 0 : i32
        %dma_wait3A_100 = tpu.memref_slice %arg12[%add3A, %dma_wait3A] : memref<5120x128xf32, #tpu.memory_space<vmem_shared>> -> memref<64x128xf32, #tpu.memory_space<vmem_shared>>
        %dma_wait3A_101 = arith.constant 0 : i32
        %dma_wait3A_102 = tpu.memref_slice %arg12[%add3A, %dma_wait3A_101] : memref<5120x128xf32, #tpu.memory_space<vmem_shared>> -> memref<64x128xf32, #tpu.memory_space<vmem_shared>>
        tpu.wait_dma2 semaphore(%run_scoped3A_95 : memref<!tpu.dma_semaphore, #tpu.memory_space<semaphore_mem>>) src(%dma_wait3A_102 : memref<64x128xf32, #tpu.memory_space<vmem_shared>>) dst(%arg9 : memref<64x128xf32, #tpu.memory_space<vmem>>)
        tpu.yield
      }) : () -> ()
      %mul3A_88 = arith.constant 320 : i32
      %mul3A_89 = arith.muli %arg1, %mul3A_88 : i32
      %mul3A_90 = arith.constant 64 : i32
      %mul3A_91 = arith.muli %scan3A_83, %mul3A_90 : i32
      %add3A_92 = arith.addi %mul3A_89, %mul3A_91 : i32
      %run_scoped3A_93 = arith.constant 0 : i32
      "tpu.region"() ({
        %run_scoped3A_95 = tpu.sem_alloc : memref<!tpu.dma_semaphore, #tpu.memory_space<semaphore_mem>>
        %dma_start3A_96 = arith.constant 0 : i32
        %dma_start3A_97 = tpu.memref_slice %arg5[%arg0, %run_scoped3A_93, %add3A_92, %dma_start3A_96] : memref<2x2x5120x128xf32, #tpu.memory_space<hbm>> -> memref<1x1x64x128xf32, #tpu.memory_space<hbm>>
        %dma_start3A_98 = tpu.memref_squeeze %dma_start3A_97 : memref<1x1x64x128xf32, #tpu.memory_space<hbm>> -> memref<64x128xf32, #tpu.memory_space<hbm>>
        %dma_start3A_99 = arith.constant 0 : i32
        %dma_start3A_100 = tpu.memref_slice %arg5[%arg0, %run_scoped3A_93, %add3A_92, %dma_start3A_99] : memref<2x2x5120x128xf32, #tpu.memory_space<hbm>> -> memref<1x1x64x128xf32, #tpu.memory_space<hbm>>
        %dma_start3A_101 = tpu.memref_squeeze %dma_start3A_100 : memref<1x1x64x128xf32, #tpu.memory_space<hbm>> -> memref<64x128xf32, #tpu.memory_space<hbm>>
        tpu.enqueue_dma source(%arg9 : memref<64x128xf32, #tpu.memory_space<vmem>>) target(%dma_start3A_101 : memref<64x128xf32, #tpu.memory_space<hbm>>) target_semaphore(%run_scoped3A_95 : memref<!tpu.dma_semaphore, #tpu.memory_space<semaphore_mem>>)
        %dma_wait3A = arith.constant 0 : i32
        %dma_wait3A_102 = tpu.memref_slice %arg5[%arg0, %run_scoped3A_93, %add3A_92, %dma_wait3A] : memref<2x2x5120x128xf32, #tpu.memory_space<hbm>> -> memref<1x1x64x128xf32, #tpu.memory_space<hbm>>
        %dma_wait3A_103 = tpu.memref_squeeze %dma_wait3A_102 : memref<1x1x64x128xf32, #tpu.memory_space<hbm>> -> memref<64x128xf32, #tpu.memory_space<hbm>>
        %dma_wait3A_104 = arith.constant 0 : i32
        %dma_wait3A_105 = tpu.memref_slice %arg5[%arg0, %run_scoped3A_93, %add3A_92, %dma_wait3A_104] : memref<2x2x5120x128xf32, #tpu.memory_space<hbm>> -> memref<1x1x64x128xf32, #tpu.memory_space<hbm>>
        %dma_wait3A_106 = tpu.memref_squeeze %dma_wait3A_105 : memref<1x1x64x128xf32, #tpu.memory_space<hbm>> -> memref<64x128xf32, #tpu.memory_space<hbm>>
        tpu.wait_dma2 semaphore(%run_scoped3A_95 : memref<!tpu.dma_semaphore, #tpu.memory_space<semaphore_mem>>) src(%arg9 : memref<64x128xf32, #tpu.memory_space<vmem>>) dst(%dma_wait3A_106 : memref<64x128xf32, #tpu.memory_space<hbm>>)
        tpu.yield
      }) : () -> ()
      %scan3A_94 = arith.constant 0 : i32
      scf.yield %scan3A_94 : i32
    }
    %scan3A_39 = arith.constant 5 : i32
    %scan3A_40 = arith.constant 0 : i32
    %scan3A_41 = arith.constant 0 : i32
    %scan3A_42 = arith.constant 64 : i32
    %scan3A_43 = arith.addi %scan3A_41, %scan3A_42 : i32
    %scan3A_44 = arith.constant 1 : i32
    %scan3A_45 = scf.for %scan3A_83 = %scan3A_41 to %scan3A_43 step %scan3A_44 iter_args(%scan3A_84 = %scan3A_40) -> (i32)  : i32 {
      %scan3A_85 = arith.constant 0 : i32
      %scan3A_86 = arith.constant 0 : i32
      %scan3A_87 = arith.constant 8 : i32
      %scan3A_88 = arith.addi %scan3A_86, %scan3A_87 : i32
      %scan3A_89 = arith.constant 1 : i32
      %scan3A_90 = scf.for %scan3A_92 = %scan3A_86 to %scan3A_88 step %scan3A_89 iter_args(%scan3A_93 = %scan3A_85) -> (i32)  : i32 {
        %mul3A = arith.constant 16 : i32
        %mul3A_94 = arith.muli %scan3A_92, %mul3A : i32
        %swap3A = arith.index_cast %scan3A_83 : i32 to index
        %swap3A_95 = arith.index_cast %mul3A_94 : i32 to index
        %swap3A_96 = tpu.vector_load %arg9[%swap3A, %swap3A_95] {strides = array<i32>} : memref<64x128xf32, #tpu.memory_space<vmem>>, vector<1x16xf32>,
        %swap3A_97 = vector.shape_cast %swap3A_96 : vector<1x16xf32> to vector<16xf32>
        %swap3A_98 = vector.shape_cast %broadcast_in_dim3A_0 : vector<16xf32> to vector<1x16xf32>
        tpu.vector_store %arg9[%swap3A, %swap3A_95], %swap3A_98 {strides = array<i32>} : memref<64x128xf32, #tpu.memory_space<vmem>>, vector<1x16xf32>,
        %scan3A_99 = arith.constant 0 : i32
        scf.yield %scan3A_99 : i32
      }
      %scan3A_91 = arith.constant 8 : i32
      scf.yield %scan3A_90 : i32
    }
    %scan3A_46 = arith.constant 64 : i32
    %run_scoped3A_47 = arith.constant 1 : i32
    "tpu.region"() ({
      %run_scoped3A_83 = tpu.sem_alloc : memref<!tpu.dma_semaphore, #tpu.memory_space<semaphore_mem>>
      %dma_start3A_84 = arith.constant 0 : i32
      %dma_start3A_85 = arith.constant 0 : i32
      %dma_start3A_86 = tpu.memref_slice %arg3[%run_scoped3A_47, %arg1, %dma_start3A_84, %dma_start3A_85] : memref<2x16x125x80xi32, #tpu.memory_space<hbm>> -> memref<1x1x125x80xi32, #tpu.memory_space<hbm>>
      %dma_start3A_87 = tpu.memref_squeeze %dma_start3A_86 : memref<1x1x125x80xi32, #tpu.memory_space<hbm>> -> memref<125x80xi32, #tpu.memory_space<hbm>>
      %dma_start3A_88 = arith.constant 0 : i32
      %dma_start3A_89 = arith.constant 0 : i32
      %dma_start3A_90 = tpu.memref_slice %arg3[%run_scoped3A_47, %arg1, %dma_start3A_88, %dma_start3A_89] : memref<2x16x125x80xi32, #tpu.memory_space<hbm>> -> memref<1x1x125x80xi32, #tpu.memory_space<hbm>>
      %dma_start3A_91 = tpu.memref_squeeze %dma_start3A_90 : memref<1x1x125x80xi32, #tpu.memory_space<hbm>> -> memref<125x80xi32, #tpu.memory_space<hbm>>
      tpu.enqueue_dma source(%dma_start3A_91 : memref<125x80xi32, #tpu.memory_space<hbm>>) target(%arg6 : memref<125x80xi32, #tpu.memory_space<vmem>>) target_semaphore(%run_scoped3A_83 : memref<!tpu.dma_semaphore, #tpu.memory_space<semaphore_mem>>)
      %dma_wait3A = arith.constant 0 : i32
      %dma_wait3A_92 = arith.constant 0 : i32
      %dma_wait3A_93 = tpu.memref_slice %arg3[%run_scoped3A_47, %arg1, %dma_wait3A, %dma_wait3A_92] : memref<2x16x125x80xi32, #tpu.memory_space<hbm>> -> memref<1x1x125x80xi32, #tpu.memory_space<hbm>>
      %dma_wait3A_94 = tpu.memref_squeeze %dma_wait3A_93 : memref<1x1x125x80xi32, #tpu.memory_space<hbm>> -> memref<125x80xi32, #tpu.memory_space<hbm>>
      %dma_wait3A_95 = arith.constant 0 : i32
      %dma_wait3A_96 = arith.constant 0 : i32
      %dma_wait3A_97 = tpu.memref_slice %arg3[%run_scoped3A_47, %arg1, %dma_wait3A_95, %dma_wait3A_96] : memref<2x16x125x80xi32, #tpu.memory_space<hbm>> -> memref<1x1x125x80xi32, #tpu.memory_space<hbm>>
      %dma_wait3A_98 = tpu.memref_squeeze %dma_wait3A_97 : memref<1x1x125x80xi32, #tpu.memory_space<hbm>> -> memref<125x80xi32, #tpu.memory_space<hbm>>
      tpu.wait_dma2 semaphore(%run_scoped3A_83 : memref<!tpu.dma_semaphore, #tpu.memory_space<semaphore_mem>>) src(%dma_wait3A_98 : memref<125x80xi32, #tpu.memory_space<hbm>>) dst(%arg6 : memref<125x80xi32, #tpu.memory_space<vmem>>)
      tpu.yield
    }) : () -> ()
    %scan3A_48 = arith.constant 0 : i32
    %scan3A_49 = arith.constant 0 : i32
    %scan3A_50 = arith.constant 5 : i32
    %scan3A_51 = arith.addi %scan3A_49, %scan3A_50 : i32
    %scan3A_52 = arith.constant 1 : i32
    %scan3A_53 = scf.for %scan3A_83 = %scan3A_49 to %scan3A_51 step %scan3A_52 iter_args(%scan3A_84 = %scan3A_48) -> (i32)  : i32 {
      %mul3A = arith.constant 320 : i32
      %mul3A_85 = arith.muli %arg1, %mul3A : i32
      %mul3A_86 = arith.constant 64 : i32
      %mul3A_87 = arith.muli %scan3A_83, %mul3A_86 : i32
      %add3A = arith.addi %mul3A_85, %mul3A_87 : i32
      "tpu.region"() ({
        %run_scoped3A_89 = tpu.sem_alloc : memref<!tpu.dma_semaphore, #tpu.memory_space<semaphore_mem>>
        %dma_start3A_90 = arith.constant 0 : i32
        %dma_start3A_91 = tpu.memref_slice %arg12[%add3A, %dma_start3A_90] : memref<5120x128xf32, #tpu.memory_space<vmem_shared>> -> memref<64x128xf32, #tpu.memory_space<vmem_shared>>
        %dma_start3A_92 = arith.constant 0 : i32
        %dma_start3A_93 = tpu.memref_slice %arg12[%add3A, %dma_start3A_92] : memref<5120x128xf32, #tpu.memory_space<vmem_shared>> -> memref<64x128xf32, #tpu.memory_space<vmem_shared>>
        tpu.enqueue_dma source(%arg9 : memref<64x128xf32, #tpu.memory_space<vmem>>) target(%dma_start3A_93 : memref<64x128xf32, #tpu.memory_space<vmem_shared>>) target_semaphore(%run_scoped3A_89 : memref<!tpu.dma_semaphore, #tpu.memory_space<semaphore_mem>>)
        %dma_wait3A = arith.constant 0 : i32
        %dma_wait3A_94 = tpu.memref_slice %arg12[%add3A, %dma_wait3A] : memref<5120x128xf32, #tpu.memory_space<vmem_shared>> -> memref<64x128xf32, #tpu.memory_space<vmem_shared>>
        %dma_wait3A_95 = arith.constant 0 : i32
        %dma_wait3A_96 = tpu.memref_slice %arg12[%add3A, %dma_wait3A_95] : memref<5120x128xf32, #tpu.memory_space<vmem_shared>> -> memref<64x128xf32, #tpu.memory_space<vmem_shared>>
        tpu.wait_dma2 semaphore(%run_scoped3A_89 : memref<!tpu.dma_semaphore, #tpu.memory_space<semaphore_mem>>) src(%arg9 : memref<64x128xf32, #tpu.memory_space<vmem>>) dst(%dma_wait3A_96 : memref<64x128xf32, #tpu.memory_space<vmem_shared>>)
        tpu.yield
      }) : () -> ()
      %scan3A_88 = arith.constant 0 : i32
      scf.yield %scan3A_88 : i32
    }
    %scan3A_54 = arith.constant 5 : i32
    %barrier3A_55 = arith.constant 0 : index
    tpu.barrier barrier_id(%barrier3A_55)
    %dma_start3A_56 = arith.constant 0 : i32
    %dma_start3A_57 = arith.constant 0 : i32
    %dma_start3A_58 = arith.constant 0 : i32
    %dma_start3A_59 = arith.constant 0 : i32
    %dma_start3A_60 = tpu.memref_slice %arg8[%dma_start3A_57, %dma_start3A_58, %dma_start3A_59] : memref<2x80x128xf32, #tpu.memory_space<vmem>> -> memref<1x80x128xf32, #tpu.memory_space<vmem>>
    %dma_start3A_61 = tpu.memref_squeeze %dma_start3A_60 : memref<1x80x128xf32, #tpu.memory_space<vmem>> -> memref<80x128xf32, #tpu.memory_space<vmem>>
    %dma_start3A_62 = arith.constant 0 : i32
    %dma_start3A_63 = tpu.memref_slice %arg6[%dma_start3A_56, %dma_start3A_62] : memref<125x80xi32, #tpu.memory_space<vmem>> -> memref<1x80xi32, #tpu.memory_space<vmem>>
    %dma_start3A_64 = tpu.memref_squeeze %dma_start3A_63 : memref<1x80xi32, #tpu.memory_space<vmem>> -> memref<80xi32, #tpu.memory_space<vmem>>
    %dma_start3A_65 = arith.constant 0 : i32
    %dma_start3A_66 = arith.constant 0 : i32
    %dma_start3A_67 = tpu.memref_slice %arg2[%dma_start3A_65, %dma_start3A_66] : memref<20000x128xf32, #tpu.memory_space<hbm>> -> memref<20000x128xf32, #tpu.memory_space<hbm>>
    tpu.enqueue_indirect_dma source(%dma_start3A_67 : memref<20000x128xf32, #tpu.memory_space<hbm>>) target(%dma_start3A_61 : memref<80x128xf32, #tpu.memory_space<vmem>>) offsets(%dma_start3A_64 : memref<80xi32, #tpu.memory_space<vmem>>) semaphore(%arg10 : memref<!tpu.dma_semaphore, #tpu.memory_space<semaphore_mem>>)
    %scan3A_68 = arith.constant 0 : i32
    %scan3A_69 = arith.constant 0 : i32
    %scan3A_70 = arith.constant 125 : i32
    %scan3A_71 = arith.addi %scan3A_69, %scan3A_70 : i32
    %scan3A_72 = arith.constant 1 : i32
    %scan3A_73 = scf.for %scan3A_83 = %scan3A_69 to %scan3A_71 step %scan3A_72 iter_args(%scan3A_84 = %scan3A_68) -> (i32)  : i32 {
      %rem3A = arith.constant 2 : i32
      %rem3A_85 = arith.remsi %scan3A_83, %rem3A : i32
      %eq3A = arith.constant 0 : i32
      %eq3A_86 = arith.cmpi eq, %rem3A_85, %eq3A : i32
      %add3A = arith.constant 1 : i32
      %add3A_87 = arith.addi %scan3A_83, %add3A : i32
      %lt3A = arith.constant 125 : i32
      %lt3A_88 = arith.cmpi slt, %add3A_87, %lt3A : i32
      %and3A = arith.andi %lt3A_88, %eq3A_86 : i1
      %convert_element_type3A = arith.extui %and3A : i1 to i32
      %cond3A = arith.constant 0 : i32
      %cond3A_89 = arith.cmpi ne, %convert_element_type3A, %cond3A : i32
      scf.if %cond3A_89 {
        %add3A_108 = arith.constant 1 : i32
        %add3A_109 = arith.addi %scan3A_83, %add3A_108 : i32
        %dma_start3A_110 = arith.constant 1 : i32
        %dma_start3A_111 = arith.constant 0 : i32
        %dma_start3A_112 = arith.constant 0 : i32
        %dma_start3A_113 = tpu.memref_slice %arg8[%dma_start3A_110, %dma_start3A_111, %dma_start3A_112] : memref<2x80x128xf32, #tpu.memory_space<vmem>> -> memref<1x80x128xf32, #tpu.memory_space<vmem>>
        %dma_start3A_114 = tpu.memref_squeeze %dma_start3A_113 : memref<1x80x128xf32, #tpu.memory_space<vmem>> -> memref<80x128xf32, #tpu.memory_space<vmem>>
        %dma_start3A_115 = arith.constant 0 : i32
        %dma_start3A_116 = tpu.memref_slice %arg6[%add3A_109, %dma_start3A_115] : memref<125x80xi32, #tpu.memory_space<vmem>> -> memref<1x80xi32, #tpu.memory_space<vmem>>
        %dma_start3A_117 = tpu.memref_squeeze %dma_start3A_116 : memref<1x80xi32, #tpu.memory_space<vmem>> -> memref<80xi32, #tpu.memory_space<vmem>>
        %dma_start3A_118 = arith.constant 0 : i32
        %dma_start3A_119 = arith.constant 0 : i32
        %dma_start3A_120 = tpu.memref_slice %arg2[%dma_start3A_118, %dma_start3A_119] : memref<20000x128xf32, #tpu.memory_space<hbm>> -> memref<20000x128xf32, #tpu.memory_space<hbm>>
        tpu.enqueue_indirect_dma source(%dma_start3A_120 : memref<20000x128xf32, #tpu.memory_space<hbm>>) target(%dma_start3A_114 : memref<80x128xf32, #tpu.memory_space<vmem>>) offsets(%dma_start3A_117 : memref<80xi32, #tpu.memory_space<vmem>>) semaphore(%arg11 : memref<!tpu.dma_semaphore, #tpu.memory_space<semaphore_mem>>)
      } else {
      }
      %add3A_90 = arith.constant 1 : i32
      %add3A_91 = arith.addi %scan3A_83, %add3A_90 : i32
      %lt3A_92 = arith.constant 125 : i32
      %lt3A_93 = arith.cmpi slt, %add3A_91, %lt3A_92 : i32
      %not3A = arith.constant true
      %not3A_94 = arith.xori %eq3A_86, %not3A : i1
      %and3A_95 = arith.andi %lt3A_93, %not3A_94 : i1
      %convert_element_type3A_96 = arith.extui %and3A_95 : i1 to i32
      %cond3A_97 = arith.constant 0 : i32
      %cond3A_98 = arith.cmpi ne, %convert_element_type3A_96, %cond3A_97 : i32
      scf.if %cond3A_98 {
        %add3A_108 = arith.constant 1 : i32
        %add3A_109 = arith.addi %scan3A_83, %add3A_108 : i32
        %dma_start3A_110 = arith.constant 0 : i32
        %dma_start3A_111 = arith.constant 0 : i32
        %dma_start3A_112 = arith.constant 0 : i32
        %dma_start3A_113 = tpu.memref_slice %arg8[%dma_start3A_110, %dma_start3A_111, %dma_start3A_112] : memref<2x80x128xf32, #tpu.memory_space<vmem>> -> memref<1x80x128xf32, #tpu.memory_space<vmem>>
        %dma_start3A_114 = tpu.memref_squeeze %dma_start3A_113 : memref<1x80x128xf32, #tpu.memory_space<vmem>> -> memref<80x128xf32, #tpu.memory_space<vmem>>
        %dma_start3A_115 = arith.constant 0 : i32
        %dma_start3A_116 = tpu.memref_slice %arg6[%add3A_109, %dma_start3A_115] : memref<125x80xi32, #tpu.memory_space<vmem>> -> memref<1x80xi32, #tpu.memory_space<vmem>>
        %dma_start3A_117 = tpu.memref_squeeze %dma_start3A_116 : memref<1x80xi32, #tpu.memory_space<vmem>> -> memref<80xi32, #tpu.memory_space<vmem>>
        %dma_start3A_118 = arith.constant 0 : i32
        %dma_start3A_119 = arith.constant 0 : i32
        %dma_start3A_120 = tpu.memref_slice %arg2[%dma_start3A_118, %dma_start3A_119] : memref<20000x128xf32, #tpu.memory_space<hbm>> -> memref<20000x128xf32, #tpu.memory_space<hbm>>
        tpu.enqueue_indirect_dma source(%dma_start3A_120 : memref<20000x128xf32, #tpu.memory_space<hbm>>) target(%dma_start3A_114 : memref<80x128xf32, #tpu.memory_space<vmem>>) offsets(%dma_start3A_117 : memref<80xi32, #tpu.memory_space<vmem>>) semaphore(%arg10 : memref<!tpu.dma_semaphore, #tpu.memory_space<semaphore_mem>>)
      } else {
      }
      %convert_element_type3A_99 = arith.extui %eq3A_86 : i1 to i32
      %cond3A_100 = arith.constant 0 : i32
      %cond3A_101 = arith.cmpi ne, %convert_element_type3A_99, %cond3A_100 : i32
      scf.if %cond3A_101 {
        %dma_wait3A = arith.constant 0 : i32
        %dma_wait3A_108 = arith.constant 0 : i32
        %dma_wait3A_109 = arith.constant 0 : i32
        %dma_wait3A_110 = tpu.memref_slice %arg8[%dma_wait3A, %dma_wait3A_108, %dma_wait3A_109] : memref<2x80x128xf32, #tpu.memory_space<vmem>> -> memref<1x80x128xf32, #tpu.memory_space<vmem>>
        %dma_wait3A_111 = tpu.memref_squeeze %dma_wait3A_110 : memref<1x80x128xf32, #tpu.memory_space<vmem>> -> memref<80x128xf32, #tpu.memory_space<vmem>>
        %dma_wait3A_112 = arith.constant 0 : i32
        %dma_wait3A_113 = tpu.memref_slice %arg6[%scan3A_83, %dma_wait3A_112] : memref<125x80xi32, #tpu.memory_space<vmem>> -> memref<1x80xi32, #tpu.memory_space<vmem>>
        %dma_wait3A_114 = tpu.memref_squeeze %dma_wait3A_113 : memref<1x80xi32, #tpu.memory_space<vmem>> -> memref<80xi32, #tpu.memory_space<vmem>>
        %dma_wait3A_115 = arith.constant 0 : i32
        %dma_wait3A_116 = arith.constant 0 : i32
        %dma_wait3A_117 = tpu.memref_slice %arg2[%dma_wait3A_115, %dma_wait3A_116] : memref<20000x128xf32, #tpu.memory_space<hbm>> -> memref<20000x128xf32, #tpu.memory_space<hbm>>
        tpu.wait_indirect_dma semaphore(%arg10 : memref<!tpu.dma_semaphore, #tpu.memory_space<semaphore_mem>>) src(%dma_wait3A_117 : memref<20000x128xf32, #tpu.memory_space<hbm>>) dst(%dma_wait3A_111 : memref<80x128xf32, #tpu.memory_space<vmem>>)
        %run_scoped3A_118 = arith.constant 0 : i32
        "tpu.region"() ({
          %run_scoped3A_119 = tpu.sem_alloc : memref<!tpu.dma_semaphore, #tpu.memory_space<semaphore_mem>>
          %dma_start3A_120 = arith.constant 0 : i32
          %dma_start3A_121 = arith.constant 0 : i32
          %dma_start3A_122 = tpu.memref_slice %arg8[%run_scoped3A_118, %dma_start3A_120, %dma_start3A_121] : memref<2x80x128xf32, #tpu.memory_space<vmem>> -> memref<1x80x128xf32, #tpu.memory_space<vmem>>
          %dma_start3A_123 = tpu.memref_squeeze %dma_start3A_122 : memref<1x80x128xf32, #tpu.memory_space<vmem>> -> memref<80x128xf32, #tpu.memory_space<vmem>>
          %dma_start3A_124 = arith.constant 0 : i32
          %dma_start3A_125 = tpu.memref_slice %arg7[%scan3A_83, %dma_start3A_124] : memref<125x80xi32, #tpu.memory_space<vmem>> -> memref<1x80xi32, #tpu.memory_space<vmem>>
          %dma_start3A_126 = tpu.memref_squeeze %dma_start3A_125 : memref<1x80xi32, #tpu.memory_space<vmem>> -> memref<80xi32, #tpu.memory_space<vmem>>
          %dma_start3A_127 = arith.constant 0 : i32
          %dma_start3A_128 = arith.constant 0 : i32
          %dma_start3A_129 = tpu.memref_slice %arg12[%dma_start3A_127, %dma_start3A_128] : memref<5120x128xf32, #tpu.memory_space<vmem_shared>> -> memref<5120x128xf32, #tpu.memory_space<vmem_shared>>
          tpu.enqueue_indirect_dma source(%dma_start3A_123 : memref<80x128xf32, #tpu.memory_space<vmem>>) target(%dma_start3A_129 : memref<5120x128xf32, #tpu.memory_space<vmem_shared>>) offsets(%dma_start3A_126 : memref<80xi32, #tpu.memory_space<vmem>>) semaphore(%run_scoped3A_119 : memref<!tpu.dma_semaphore, #tpu.memory_space<semaphore_mem>>) {add = true}
          %dma_wait3A_130 = arith.constant 0 : i32
          %dma_wait3A_131 = arith.constant 0 : i32
          %dma_wait3A_132 = tpu.memref_slice %arg8[%run_scoped3A_118, %dma_wait3A_130, %dma_wait3A_131] : memref<2x80x128xf32, #tpu.memory_space<vmem>> -> memref<1x80x128xf32, #tpu.memory_space<vmem>>
          %dma_wait3A_133 = tpu.memref_squeeze %dma_wait3A_132 : memref<1x80x128xf32, #tpu.memory_space<vmem>> -> memref<80x128xf32, #tpu.memory_space<vmem>>
          %dma_wait3A_134 = arith.constant 0 : i32
          %dma_wait3A_135 = tpu.memref_slice %arg7[%scan3A_83, %dma_wait3A_134] : memref<125x80xi32, #tpu.memory_space<vmem>> -> memref<1x80xi32, #tpu.memory_space<vmem>>
          %dma_wait3A_136 = tpu.memref_squeeze %dma_wait3A_135 : memref<1x80xi32, #tpu.memory_space<vmem>> -> memref<80xi32, #tpu.memory_space<vmem>>
          %dma_wait3A_137 = arith.constant 0 : i32
          %dma_wait3A_138 = arith.constant 0 : i32
          %dma_wait3A_139 = tpu.memref_slice %arg12[%dma_wait3A_137, %dma_wait3A_138] : memref<5120x128xf32, #tpu.memory_space<vmem_shared>> -> memref<5120x128xf32, #tpu.memory_space<vmem_shared>>
          tpu.wait_indirect_dma semaphore(%run_scoped3A_119 : memref<!tpu.dma_semaphore, #tpu.memory_space<semaphore_mem>>) src(%dma_wait3A_133 : memref<80x128xf32, #tpu.memory_space<vmem>>) dst(%dma_wait3A_139 : memref<5120x128xf32, #tpu.memory_space<vmem_shared>>)
          tpu.yield
        }) : () -> ()
      } else {
      }
      %not3A_102 = arith.constant true
      %not3A_103 = arith.xori %eq3A_86, %not3A_102 : i1
      %convert_element_type3A_104 = arith.extui %not3A_103 : i1 to i32
      %cond3A_105 = arith.constant 0 : i32
      %cond3A_106 = arith.cmpi ne, %convert_element_type3A_104, %cond3A_105 : i32
      scf.if %cond3A_106 {
        %dma_wait3A = arith.constant 1 : i32
        %dma_wait3A_108 = arith.constant 0 : i32
        %dma_wait3A_109 = arith.constant 0 : i32
        %dma_wait3A_110 = tpu.memref_slice %arg8[%dma_wait3A, %dma_wait3A_108, %dma_wait3A_109] : memref<2x80x128xf32, #tpu.memory_space<vmem>> -> memref<1x80x128xf32, #tpu.memory_space<vmem>>
        %dma_wait3A_111 = tpu.memref_squeeze %dma_wait3A_110 : memref<1x80x128xf32, #tpu.memory_space<vmem>> -> memref<80x128xf32, #tpu.memory_space<vmem>>
        %dma_wait3A_112 = arith.constant 0 : i32
        %dma_wait3A_113 = tpu.memref_slice %arg6[%scan3A_83, %dma_wait3A_112] : memref<125x80xi32, #tpu.memory_space<vmem>> -> memref<1x80xi32, #tpu.memory_space<vmem>>
        %dma_wait3A_114 = tpu.memref_squeeze %dma_wait3A_113 : memref<1x80xi32, #tpu.memory_space<vmem>> -> memref<80xi32, #tpu.memory_space<vmem>>
        %dma_wait3A_115 = arith.constant 0 : i32
        %dma_wait3A_116 = arith.constant 0 : i32
        %dma_wait3A_117 = tpu.memref_slice %arg2[%dma_wait3A_115, %dma_wait3A_116] : memref<20000x128xf32, #tpu.memory_space<hbm>> -> memref<20000x128xf32, #tpu.memory_space<hbm>>
        tpu.wait_indirect_dma semaphore(%arg11 : memref<!tpu.dma_semaphore, #tpu.memory_space<semaphore_mem>>) src(%dma_wait3A_117 : memref<20000x128xf32, #tpu.memory_space<hbm>>) dst(%dma_wait3A_111 : memref<80x128xf32, #tpu.memory_space<vmem>>)
        %run_scoped3A_118 = arith.constant 1 : i32
        "tpu.region"() ({
          %run_scoped3A_119 = tpu.sem_alloc : memref<!tpu.dma_semaphore, #tpu.memory_space<semaphore_mem>>
          %dma_start3A_120 = arith.constant 0 : i32
          %dma_start3A_121 = arith.constant 0 : i32
          %dma_start3A_122 = tpu.memref_slice %arg8[%run_scoped3A_118, %dma_start3A_120, %dma_start3A_121] : memref<2x80x128xf32, #tpu.memory_space<vmem>> -> memref<1x80x128xf32, #tpu.memory_space<vmem>>
          %dma_start3A_123 = tpu.memref_squeeze %dma_start3A_122 : memref<1x80x128xf32, #tpu.memory_space<vmem>> -> memref<80x128xf32, #tpu.memory_space<vmem>>
          %dma_start3A_124 = arith.constant 0 : i32
          %dma_start3A_125 = tpu.memref_slice %arg7[%scan3A_83, %dma_start3A_124] : memref<125x80xi32, #tpu.memory_space<vmem>> -> memref<1x80xi32, #tpu.memory_space<vmem>>
          %dma_start3A_126 = tpu.memref_squeeze %dma_start3A_125 : memref<1x80xi32, #tpu.memory_space<vmem>> -> memref<80xi32, #tpu.memory_space<vmem>>
          %dma_start3A_127 = arith.constant 0 : i32
          %dma_start3A_128 = arith.constant 0 : i32
          %dma_start3A_129 = tpu.memref_slice %arg12[%dma_start3A_127, %dma_start3A_128] : memref<5120x128xf32, #tpu.memory_space<vmem_shared>> -> memref<5120x128xf32, #tpu.memory_space<vmem_shared>>
          tpu.enqueue_indirect_dma source(%dma_start3A_123 : memref<80x128xf32, #tpu.memory_space<vmem>>) target(%dma_start3A_129 : memref<5120x128xf32, #tpu.memory_space<vmem_shared>>) offsets(%dma_start3A_126 : memref<80xi32, #tpu.memory_space<vmem>>) semaphore(%run_scoped3A_119 : memref<!tpu.dma_semaphore, #tpu.memory_space<semaphore_mem>>) {add = true}
          %dma_wait3A_130 = arith.constant 0 : i32
          %dma_wait3A_131 = arith.constant 0 : i32
          %dma_wait3A_132 = tpu.memref_slice %arg8[%run_scoped3A_118, %dma_wait3A_130, %dma_wait3A_131] : memref<2x80x128xf32, #tpu.memory_space<vmem>> -> memref<1x80x128xf32, #tpu.memory_space<vmem>>
          %dma_wait3A_133 = tpu.memref_squeeze %dma_wait3A_132 : memref<1x80x128xf32, #tpu.memory_space<vmem>> -> memref<80x128xf32, #tpu.memory_space<vmem>>
          %dma_wait3A_134 = arith.constant 0 : i32
          %dma_wait3A_135 = tpu.memref_slice %arg7[%scan3A_83, %dma_wait3A_134] : memref<125x80xi32, #tpu.memory_space<vmem>> -> memref<1x80xi32, #tpu.memory_space<vmem>>
          %dma_wait3A_136 = tpu.memref_squeeze %dma_wait3A_135 : memref<1x80xi32, #tpu.memory_space<vmem>> -> memref<80xi32, #tpu.memory_space<vmem>>
          %dma_wait3A_137 = arith.constant 0 : i32
          %dma_wait3A_138 = arith.constant 0 : i32
          %dma_wait3A_139 = tpu.memref_slice %arg12[%dma_wait3A_137, %dma_wait3A_138] : memref<5120x128xf32, #tpu.memory_space<vmem_shared>> -> memref<5120x128xf32, #tpu.memory_space<vmem_shared>>
          tpu.wait_indirect_dma semaphore(%run_scoped3A_119 : memref<!tpu.dma_semaphore, #tpu.memory_space<semaphore_mem>>) src(%dma_wait3A_133 : memref<80x128xf32, #tpu.memory_space<vmem>>) dst(%dma_wait3A_139 : memref<5120x128xf32, #tpu.memory_space<vmem_shared>>)
          tpu.yield
        }) : () -> ()
      } else {
      }
      %scan3A_107 = arith.constant 0 : i32
      scf.yield %scan3A_107 : i32
    }
    %scan3A_74 = arith.constant 125 : i32
    %barrier3A_75 = arith.constant 0 : index
    tpu.barrier barrier_id(%barrier3A_75)
    %scan3A_76 = arith.constant 0 : i32
    %scan3A_77 = arith.constant 0 : i32
    %scan3A_78 = arith.constant 5 : i32
    %scan3A_79 = arith.addi %scan3A_77, %scan3A_78 : i32
    %scan3A_80 = arith.constant 1 : i32
    %scan3A_81 = scf.for %scan3A_83 = %scan3A_77 to %scan3A_79 step %scan3A_80 iter_args(%scan3A_84 = %scan3A_76) -> (i32)  : i32 {
      %mul3A = arith.constant 320 : i32
      %mul3A_85 = arith.muli %arg1, %mul3A : i32
      %mul3A_86 = arith.constant 64 : i32
      %mul3A_87 = arith.muli %scan3A_83, %mul3A_86 : i32
      %add3A = arith.addi %mul3A_85, %mul3A_87 : i32
      "tpu.region"() ({
        %run_scoped3A_95 = tpu.sem_alloc : memref<!tpu.dma_semaphore, #tpu.memory_space<semaphore_mem>>
        %dma_start3A_96 = arith.constant 0 : i32
        %dma_start3A_97 = tpu.memref_slice %arg12[%add3A, %dma_start3A_96] : memref<5120x128xf32, #tpu.memory_space<vmem_shared>> -> memref<64x128xf32, #tpu.memory_space<vmem_shared>>
        %dma_start3A_98 = arith.constant 0 : i32
        %dma_start3A_99 = tpu.memref_slice %arg12[%add3A, %dma_start3A_98] : memref<5120x128xf32, #tpu.memory_space<vmem_shared>> -> memref<64x128xf32, #tpu.memory_space<vmem_shared>>
        tpu.enqueue_dma source(%dma_start3A_99 : memref<64x128xf32, #tpu.memory_space<vmem_shared>>) target(%arg9 : memref<64x128xf32, #tpu.memory_space<vmem>>) target_semaphore(%run_scoped3A_95 : memref<!tpu.dma_semaphore, #tpu.memory_space<semaphore_mem>>)
        %dma_wait3A = arith.constant 0 : i32
        %dma_wait3A_100 = tpu.memref_slice %arg12[%add3A, %dma_wait3A] : memref<5120x128xf32, #tpu.memory_space<vmem_shared>> -> memref<64x128xf32, #tpu.memory_space<vmem_shared>>
        %dma_wait3A_101 = arith.constant 0 : i32
        %dma_wait3A_102 = tpu.memref_slice %arg12[%add3A, %dma_wait3A_101] : memref<5120x128xf32, #tpu.memory_space<vmem_shared>> -> memref<64x128xf32, #tpu.memory_space<vmem_shared>>
        tpu.wait_dma2 semaphore(%run_scoped3A_95 : memref<!tpu.dma_semaphore, #tpu.memory_space<semaphore_mem>>) src(%dma_wait3A_102 : memref<64x128xf32, #tpu.memory_space<vmem_shared>>) dst(%arg9 : memref<64x128xf32, #tpu.memory_space<vmem>>)
        tpu.yield
      }) : () -> ()
      %mul3A_88 = arith.constant 320 : i32
      %mul3A_89 = arith.muli %arg1, %mul3A_88 : i32
      %mul3A_90 = arith.constant 64 : i32
      %mul3A_91 = arith.muli %scan3A_83, %mul3A_90 : i32
      %add3A_92 = arith.addi %mul3A_89, %mul3A_91 : i32
      %run_scoped3A_93 = arith.constant 1 : i32
      "tpu.region"() ({
        %run_scoped3A_95 = tpu.sem_alloc : memref<!tpu.dma_semaphore, #tpu.memory_space<semaphore_mem>>
        %dma_start3A_96 = arith.constant 0 : i32
        %dma_start3A_97 = tpu.memref_slice %arg5[%arg0, %run_scoped3A_93, %add3A_92, %dma_start3A_96] : memref<2x2x5120x128xf32, #tpu.memory_space<hbm>> -> memref<1x1x64x128xf32, #tpu.memory_space<hbm>>
        %dma_start3A_98 = tpu.memref_squeeze %dma_start3A_97 : memref<1x1x64x128xf32, #tpu.memory_space<hbm>> -> memref<64x128xf32, #tpu.memory_space<hbm>>
        %dma_start3A_99 = arith.constant 0 : i32
        %dma_start3A_100 = tpu.memref_slice %arg5[%arg0, %run_scoped3A_93, %add3A_92, %dma_start3A_99] : memref<2x2x5120x128xf32, #tpu.memory_space<hbm>> -> memref<1x1x64x128xf32, #tpu.memory_space<hbm>>
        %dma_start3A_101 = tpu.memref_squeeze %dma_start3A_100 : memref<1x1x64x128xf32, #tpu.memory_space<hbm>> -> memref<64x128xf32, #tpu.memory_space<hbm>>
        tpu.enqueue_dma source(%arg9 : memref<64x128xf32, #tpu.memory_space<vmem>>) target(%dma_start3A_101 : memref<64x128xf32, #tpu.memory_space<hbm>>) target_semaphore(%run_scoped3A_95 : memref<!tpu.dma_semaphore, #tpu.memory_space<semaphore_mem>>)
        %dma_wait3A = arith.constant 0 : i32
        %dma_wait3A_102 = tpu.memref_slice %arg5[%arg0, %run_scoped3A_93, %add3A_92, %dma_wait3A] : memref<2x2x5120x128xf32, #tpu.memory_space<hbm>> -> memref<1x1x64x128xf32, #tpu.memory_space<hbm>>
        %dma_wait3A_103 = tpu.memref_squeeze %dma_wait3A_102 : memref<1x1x64x128xf32, #tpu.memory_space<hbm>> -> memref<64x128xf32, #tpu.memory_space<hbm>>
        %dma_wait3A_104 = arith.constant 0 : i32
        %dma_wait3A_105 = tpu.memref_slice %arg5[%arg0, %run_scoped3A_93, %add3A_92, %dma_wait3A_104] : memref<2x2x5120x128xf32, #tpu.memory_space<hbm>> -> memref<1x1x64x128xf32, #tpu.memory_space<hbm>>
        %dma_wait3A_106 = tpu.memref_squeeze %dma_wait3A_105 : memref<1x1x64x128xf32, #tpu.memory_space<hbm>> -> memref<64x128xf32, #tpu.memory_space<hbm>>
        tpu.wait_dma2 semaphore(%run_scoped3A_95 : memref<!tpu.dma_semaphore, #tpu.memory_space<semaphore_mem>>) src(%arg9 : memref<64x128xf32, #tpu.memory_space<vmem>>) dst(%dma_wait3A_106 : memref<64x128xf32, #tpu.memory_space<hbm>>)
        tpu.yield
      }) : () -> ()
      %scan3A_94 = arith.constant 0 : i32
      scf.yield %scan3A_94 : i32
    }
    %scan3A_82 = arith.constant 5 : i32
    return
  }
}

</mosaic_0001>

<sc_bundles>
// kernel: _segment_sum_sc.3.cloned.1.call-start
scs
__scs_entry_jumppad:
0x0: {  	(pc) =	sbr.rel $0x88, $3  }
0x1: {  	(tag) =	ssettag $0x0;
	lr =	simm.s32 $0x1  }
0x2: {  	[smem:$0x3F9E] =	sst lr;
	_ =	strace $0xD0000000  }
0x3: {  	_ = 	snop  }
0x4: {  	_ = 	snop  }
0x5: {  	_ = 	snop  }
0x6: {  	_ = 	snop  }
0x7: {  	_ = 	snop  }
__scs_overlays_trampoline_lowered:
0x8: {  	[smem:$0x3FAD] =	sst s0  }
0x9: {  	[smem:$0x3FAE] =	sst s1  }
0xa: {  	[smem:$0x3FAF] =	sst s2  }
0xb: {  	[smem:$0x3FB0] =	sst s3  }
0xc: {  	[smem:$0x3FB1] =	sst s4  }
0xd: {  	[smem:$0x3FB2] =	sst s5  }
0xe: {  	[smem:$0x3FB3] =	sst s6  }
0xf: {  	[smem:$0x3FB4] =	sst s7  }
0x10: {  	[smem:$0x3FB5] =	sst s8  }
0x11: {  	[smem:$0x3FB6] =	sst s9;
	s0 =	simm.s32 @!p0 $0x0  }
0x12: {  	s1 =	sld [smem:$0x3F9C];
	s0 =	simm.s32 @p0 $0x1  }
0x13: {  	[smem:$0x3FB7] =	sst s0;
	s0 =	simm.s32 @!p1 $0x0  }
0x14: {  	s2 =	sld [smem:$0x3F9B];
	s0 =	simm.s32 @p1 $0x1  }
0x15: {  	[smem:$0x3FB8] =	sst s0;
	s0 =	simm.s32 @!p2 $0x0  }
0x16: {  	s3 =	sld [smem:$0x3FDB];
	s0 =	simm.s32 @p2 $0x1  }
0x17: {  	s4 =	simm.s32 $0x1BF5;
	[smem:$0x3FBA] =	sst s0  }
0x18: {  	s0 =	sld [smem:$0x3F9D];
	_ =	swait.ge [sflag:s4], $0x0  }
0x19: {  	s7 =	sld [smem:$0x3F9E]  }
0x1a: {  	s8 =	sadd.s32 $0xFFFFE003, lr  }
0x1b: {  	s9 =	sadd.s32 $0xFFFFFEF7, lr;
	s5 =	simm.s32 $0xFFFFFFFF;
	p2 =	slt.u32 s8, $0xFFFFF086  }
0x1c: {  	p1 =	slt.u32 s9, $0xF7A;
	s5 =	simm.s32 @!p2 $0x0  }
0x1d: {  	s5 =	simm.s32 @p1 $0x1;
	p0 =	seq.s32 s7, s2  }
0x1e: {  	s7 =	smul.u32 @!p0 $0xF7A, s2;
	p2 =	seq.s32 @!p0 s5, $0x0  }
0x1f: {  	s9 =	smul.u32 $0xF7A, s1;
	s8 =	simm.s32 @!p0 $0x1BF5;
	p2 =	por !p2, p0  }
0x20: {  	[sflag:s8] =	ssyncset.s32 @!p0 $0xFFFFF086;
	s6 =	sadd.s32 @!p0 s3, s7;
	s7 =	simm.s32 @!p0 $0x108  }
0x21: {  	s3 =	sadd.s32 s3, s9;
	s6 =	sadd.s32 @!p0 $0x88, s6;
	s7 =	simm.s32 @p2 $0x1082  }
0x22: {  	[simem:s7], [sflag:s8] =	dma.local @!p0 [hbm:s6], $0xF7A  }
0x23: {  	s9 =	sor.u32 $0xD0000000, s2;
	s6 =	simm.s32 $0x108;
	_ =	swait.ge @!p0 [sflag:s8], $0x0  }
0x24: {  	s3 =	sadd.s32 $0x88, s3;
	s6 =	simm.s32 @!p1 $0x1082;
	[sflag:s4] =	ssyncset.s32 $0xFFFFF086  }
0x25: {  	[simem:s6], [sflag:s4] =	dma.local [hbm:s3], $0xF7A  }
0x26: {  	[smem:$0x3F9E] =	sst s1;
	(tag) =	ssettag s2;
	_ =	strace s9  }
0x27: {  	s1 =	sld [smem:$0x3FAE]  }
0x28: {  	s2 =	sld [smem:$0x3FAF]  }
0x29: {  	s4 =	sld [smem:$0x3FB1]  }
0x2a: {  	p0 =	seq.s32 s5, $0x0;
	s5 =	sld [smem:$0x3FB2]  }
0x2b: {  	s6 =	sld [smem:$0x3FB3]  }
0x2c: {  	s7 =	sld [smem:$0x3FB4]  }
0x2d: {  	s3 =	simm.s32 $0x108;
	s8 =	sld [smem:$0x3FB5]  }
0x2e: {  	s3 =	simm.s32 @!p0 $0x1082;
	s9 =	sld [smem:$0x3FB6]  }
0x2f: {  	lr =	sadd.s32 s0, s3;
	s0 =	sld [smem:$0x3FAD]  }
0x30: {  	s3 =	sld [smem:$0x3FB0]  }
0x31: {  	[smem:$0x3FB9] =	sst s10  }
0x32: {  	s10 =	sld [smem:$0x3FB7];
	_ =	sdelay $0x3  }
0x33: {  	p0 =	seq.s32 s10, $0x1;
	s10 =	sld [smem:$0x3FB9];
	_ =	sdelay $0x3  }
0x34: {  	[smem:$0x3FB9] =	sst s10  }
0x35: {  	s10 =	sld [smem:$0x3FB8];
	_ =	sdelay $0x3  }
0x36: {  	p1 =	seq.s32 s10, $0x1;
	s10 =	sld [smem:$0x3FB9];
	_ =	sdelay $0x3  }
0x37: {  	[smem:$0x3FB9] =	sst s10  }
0x38: {  	s10 =	sld [smem:$0x3FBA]  }
0x39: {  	_ = 	snop;
	(pc) =	sbr.ind lr, $3  }
0x3a: {  	_ = 	snop  }
0x3b: {  	_ = 	snop  }
0x3c: {  	p2 =	seq.s32 s10, $0x1;
	s10 =	sld [smem:$0x3FB9]  }
0x3d: {  	_ =	shalt  }
0x3e: {  	_ =	shalt  }
0x3f: {  	_ =	shalt  }
0x40: {  	_ =	shalt  }
0x41: {  	_ =	shalt  }
0x42: {  	_ =	shalt  }
0x43: {  	_ =	shalt  }
0x44: {  	_ =	shalt  }
0x45: {  	_ =	shalt  }
0x46: {  	_ =	shalt  }
0x47: {  	_ =	shalt  }
0x48: {  	_ =	shalt  }
0x49: {  	_ =	shalt  }
0x4a: {  	_ =	shalt  }
0x4b: {  	_ =	shalt  }
0x4c: {  	_ =	shalt  }
0x4d: {  	_ =	shalt  }
0x4e: {  	_ =	shalt  }
0x4f: {  	_ =	shalt  }
0x50: {  	_ =	shalt  }
0x51: {  	_ =	shalt  }
0x52: {  	_ =	shalt  }
0x53: {  	_ =	shalt  }
0x54: {  	_ =	shalt  }
0x55: {  	_ =	shalt  }
0x56: {  	_ =	shalt  }
0x57: {  	_ =	shalt  }
0x58: {  	_ =	shalt  }
0x59: {  	_ =	shalt  }
0x5a: {  	_ =	shalt  }
0x5b: {  	_ =	shalt  }
0x5c: {  	_ =	shalt  }
0x5d: {  	_ =	shalt  }
0x5e: {  	_ =	shalt  }
0x5f: {  	_ =	shalt  }
0x60: {  	_ =	shalt  }
0x61: {  	_ =	shalt  }
0x62: {  	_ =	shalt  }
0x63: {  	_ =	shalt  }
0x64: {  	_ =	shalt  }
0x65: {  	_ =	shalt  }
0x66: {  	_ =	shalt  }
0x67: {  	_ =	shalt  }
0x68: {  	_ =	shalt  }
0x69: {  	_ =	shalt  }
0x6a: {  	_ =	shalt  }
0x6b: {  	_ =	shalt  }
0x6c: {  	_ =	shalt  }
0x6d: {  	_ =	shalt  }
0x6e: {  	_ =	shalt  }
0x6f: {  	_ =	shalt  }
0x70: {  	_ =	shalt  }
0x71: {  	_ =	shalt  }
0x72: {  	_ =	shalt  }
0x73: {  	_ =	shalt  }
0x74: {  	_ =	shalt  }
0x75: {  	_ =	shalt  }
0x76: {  	_ =	shalt  }
0x77: {  	_ =	shalt  }
0x78: {  	_ =	shalt  }
0x79: {  	_ =	shalt  }
0x7a: {  	_ =	shalt  }
0x7b: {  	_ =	shalt  }
0x7c: {  	_ =	shalt  }
0x7d: {  	_ =	shalt  }
0x7e: {  	_ =	shalt  }
0x7f: {  	_ =	shalt  }
0x80: {  	_ =	shalt  }
0x81: {  	_ =	shalt  }
0x82: {  	_ =	shalt  }
0x83: {  	_ =	shalt  }
0x84: {  	_ =	shalt  }
0x85: {  	_ =	shalt  }
0x86: {  	_ =	shalt  }
0x87: {  	_ =	shalt  }
.Lfunc_end0:
.L_simem_size_0:
called_computation_lowered:
.L_overlay_start_0:
0x88: {  	s2 =	sld [smem:$0x3FD9]  }
0x89: {  	s3 =	sld [smem:$0x3FFE];
	_ =	sdelay $0x1  }
0x8a: {  	s1 =	srdreg.scid  }
0x8b: {  	s0 =	sand.u32 $0x1, s1  }
0x8c: {  	s17 =	sshll.u32 s0, $0xA;
	s2 =	sadd.s32 s3, s2  }
0x8d: {  	s2 =	sadd.s32 s2, s17  }
0x8e: {  	[smem:$0x3FC5] =	sst s2  }
0x8f: {  	_ = 	snop  }
0x90: {  	s2 =	sld [smem:$0x3FC9]  }
0x91: {  	s18 =	sld [smem:$0x3FD0];
	(tm) =	ssettm $0x1  }
0x92: {  	s4 =	sld [smem:$0x3FFB];
	_ =	sdelay $0x3  }
0x93: {  	_ =	strace s4  }
0x94: {  	s4 =	sld [smem:$0x3FFC];
	_ =	sdelay $0x3  }
0x95: {  	_ =	strace s4  }
0x96: {  	s4 =	sld [smem:$0x3FFD];
	_ =	sdelay $0x3  }
0x97: {  	_ =	strace s4  }
0x98: {  	_ =	strace $0x8FFFFFFF  }
0x99: {  	s19 =	sld [smem:$0x3FDB];
	_ =	sdelay $0x1  }
0x9a: {  	s5 =	simm.s32 $_scs_section_size  }
0x9b: {  	s6 =	simm.s32 $_size__tile_overlayer_lowered;
	s7 =	simm.s32 $_tile_overlayer_lowered  }
0x9c: {  	s22 =	simm.s32 $0x1BFF;
	s21 =	sshll.u32 s7, $0x1;
	s4 =	sadd.s32 s5, s19  }
0x9d: {  	s8 =	simm.s32 $0x0;
	s20 =	sshll.u32 s6, $0x1;
	s6 =	sadd.s32 s21, s4  }
0x9e: {  	[timem:s8], [sflag:s22] =	dma.local [hbm:s6], s20  }
0x9f: {  	_ =	swait.ge [sflag:s22], s20  }
0xa0: {  	s5 =	ssub.s32 $0x0, s20;
	[sflag:s22] =	ssyncset.done $0x0  }
0xa1: {  	[sflag:s22] =	ssyncadd.s32 s5;
	_ =	sdelay $0x1  }
0xa2: {  	s23 =	simm.s32 $0x1B8B  }
0xa3: {  	_ =	swait.ge [sflag:s23], $0x1  }
0xa4: {  	[sflag:s23] =	ssyncset.done $0x0  }
0xa5: {  	s25 =	simm.s32 $0x1B8E;
	s24 =	sld [smem:$0x3FFE];
	[sflag:s23] =	ssyncadd.s32 $0xFFFFFFFF  }
0xa6: {  	s26 =	simm.s32 $execute0_lowered;
	[smem:$0x3FD2] =	sst s25  }
0xa7: {  	s6 =	sshll.u32 s26, $0x1;
	_ =	strace $0x80000046;
	[dreg:$0x1] =	wrdreg $0xFFFFFFFF  }
0xa8: {  	s28 =	simm.s32 $_size_execute0_lowered;
	s4 =	sadd.s32 s4, s6;
	[dreg:$0x0] =	wrdreg $0x0  }
0xa9: {  	s6 =	sshll.u32 s28, $0x1;
	[dreg:$0x2] =	wrdreg s4  }
0xaa: {  	[dreg:$0x3] =	wrdreg s6  }
0xab: {  	[dreg:$0x4] =	wrdreg $0xC0  }
0xac: {  	_ =	task [dreg:s8], $0x5FFFF  }
0xad: {  	[dreg:$0x1] =	wrdreg $0xFFFFFFFF  }
0xae: {  	[dreg:$0x0] =	wrdreg $0x60  }
0xaf: {  	[dreg:$0x2] =	wrdreg s2  }
0xb0: {  	[dreg:$0x3] =	wrdreg s24  }
0xb1: {  	[dreg:$0x4] =	wrdreg s18  }
0xb2: {  	[dreg:$0x5] =	wrdreg $0xF0000  }
0xb3: {  	[dreg:$0x6] =	wrdreg $0x9  }
0xb4: {  	_ =	task.clear_ibuf [dreg:s8], $0x7FFFF;
	_ =	strace $0x90000046  }
0xb5: {  	s29 =	simm.s32 $0x9;
	_ =	strace $0x80000048  }
0xb6: {  	_ =	swait.ge [sflag:s29], $0x1  }
0xb7: {  	[sflag:s29] =	ssyncadd.s32 $0xFFFFFFFF  }
0xb8: {  	_ =	strace $0x90000048  }
0xb9: {  	_ =	sfence  }
0xba: {  	s30 =	sld [smem:$0x0];
	_ =	sdelay $0x2  }
0xbb: {  	s31 =	sshll.u32 s1, $0xD;
	s1 =	sshrl.u32 s1, $0x2  }
0xbc: {  	s3 =	sand.u32 $0x4000, s31;
	s1 =	sadd.s32 s1, s30  }
0xbd: {  	s0 =	sor.u32 s3, s0;
	s1 =	sshll.u32 s1, $0x11  }
0xbe: {  	s0 =	sor.u32 s1, s0  }
0xbf: {  	s0 =	sadd.s32 $0x8F2B, s0  }
0xc0: {  	[sflag:s0] =	ssyncadd.remote.s32 $0x1  }
0xc1: {  	_ =	sfence.sel $0xFFFF  }
0xc2: {  	[dreg:$0x0] =	wrdreg $0xFFFFFFFF;
	(pc) =	sbr.abs _section_cstart, $3  }
0xc3: {  	[dreg:$0x1] =	wrdreg $0xFFFFFFFF  }
0xc4: {  	_ =	task.clear_ibuf [dreg:s8], $0x2FFFF;
	_ =	strace $0x9FFFFFFF  }
0xc5: {  	(tm) =	ssettm $0x7FFFFFFF  }
tec
execute0_lowered:
.L_overlay_start_1:
0x0: {  	(tag) =	ssettag $0x1  }
0x1: {  	s1 =	rddreg [dreg:$0x0]  }
0x2: {  	s0 =	rddreg [dreg:$0x1]  }
0x3: {  	s2 =	rddreg [dreg:$0x2]  }
0x4: {  	s3 =	rddreg [dreg:$0x3]  }
0x5: {  	s4 =	simm.s32 $0x0;
	s11 =	stileid.u32;
	s6 =	srdreg.scid  }
0x6: {  	s29 =	simm.s32 $0x3;
	s30 =	simm.s32 $0xD000;
	s31 =	simm.s32 $0x50  }
0x7: {  	[smem:$0x7FF] =	sst s4;
	s5 =	sshll.u32 s11, $0xB;
	s10 =	smul.u32 $0x28000, s11  }
0x8: {  	s6 =	sand.u32 $0x1, s6;
	s25 =	smul.u32 $0xA000, s11;
	_ =	strace $0x80000047  }
0x9: {  	s8 =	sadd.s32 s5, s0;
	s7 =	sshll.u32 s6, $0xF;
	s9 =	ssub.s32 $0x2, s6  }
0xa: {  	s6 =	smul.u32 $0x140000, s6;
	s5 =	sor.u32 s5, s7;
	s23 =	sshrl.u32 s9, $0x1  }
0xb: {  	s17 =	sadd.s32 $0x600, s8;
	s18 =	sshrl.u32 s10, $0x2;
	s19 =	sadd.s32 $0x8600, s8  }
0xc: {  	s22 =	sadd.s32 $0x2000, s25;
	s11 =	sadd.s32 $0x4000, s25;
	s12 =	sadd.s32 $0x6000, s25  }
0xd: {  	s16 =	sadd.s32 $0x8000, s25;
	s0 =	sadd.s32 s5, s0;
	[dreg:$0x6] =	wrdreg s17  }
0xe: {  	s24 =	ssub.s32 s9, s23;
	s7 =	sadd.s32 s18, s3;
	[dreg:$0x7] =	wrdreg s19  }
0xf: {  	s20 =	sadd.s32 s6, s25;
	s21 =	sadd.s32 $0xA0000, s6;
	s26 =	sadd.s32 s6, s22  }
0x10: {  	s13 =	sadd.s32 s6, s11;
	s14 =	sadd.s32 s6, s12;
	s6 =	sadd.s32 s6, s16  }
0x11: {  	s0 =	sadd.s32 $0x10600, s0;
	s5 =	smax.u32 s24, $0x1;
	s10 =	sadd.s32 $0x2000, s7  }
0x12: {  	s13 =	sshrl.u32 s13, $0x3;
	s14 =	sshrl.u32 s14, $0x3;
	s9 =	sadd.s32 s25, s21  }
0x13: {  	s23 =	sadd.s32 s22, s21;
	s6 =	sshrl.u32 s6, $0x3;
	s25 =	sadd.s32 s11, s21  }
0x14: {  	s8 =	sadd.s32 s16, s21;
	s22 =	sadd.s32 s22, s3;
	[dreg:$0x5] =	wrdreg s0  }
0x15: {  	s28 =	sadd.s32 $0x8000, s7;
	[dreg:$0x8] =	wrdreg s5;
	s0 =	sshrl.u32 s20, $0x3  }
0x16: {  	s5 =	sshrl.u32 s26, $0x3;
	s15 =	sadd.s32 s2, s14;
	s9 =	sshrl.u32 s9, $0x3  }
0x17: {  	s6 =	sadd.s32 s2, s6;
	s26 =	sadd.s32 s12, s21;
	s8 =	sshrl.u32 s8, $0x3  }
0x18: {  	s21 =	sadd.s32 $0x4000, s7;
	s0 =	sadd.s32 s2, s0;
	[dreg:$0xc] =	wrdreg s15  }
0x19: {  	s5 =	sadd.s32 s2, s5;
	[dreg:$0xd] =	wrdreg s6;
	s24 =	sadd.s32 s2, s9  }
0x1a: {  	s6 =	sshrl.u32 s25, $0x3;
	s9 =	sshrl.u32 s26, $0x3;
	s20 =	sadd.s32 s2, s8  }
0x1b: {  	s25 =	sadd.s32 s16, s3;
	s26 =	sadd.s32 $0x6000, s7;
	[dreg:$0x9] =	wrdreg s0  }
0x1c: {  	s8 =	simm.s32 $0x0;
	[dreg:$0xa] =	wrdreg s5;
	s5 =	sadd.s32 s2, s13  }
0x1d: {  	s13 =	sshrl.u32 s23, $0x3;
	[dreg:$0xe] =	wrdreg s24;
	s18 =	sadd.s32 s2, s6  }
0x1e: {  	s19 =	sadd.s32 s2, s9;
	s23 =	sadd.s32 s11, s3;
	s24 =	sadd.s32 s12, s3  }
0x1f: {  	s0 =	simm.s32 $0x8000;
	s6 =	simm.s32 $0x4;
	[dreg:$0xb] =	wrdreg s5  }
0x20: {  	v0 =	vimm.f32 $0.0e+00;
	s17 =	sadd.s32 s2, s13;
	s2 =	simm.s32 $0x1;
	s5 =	simm.s32 $0x7E00  }
.LBB2_1:
0x21: {  	s9 =	simm.s32 $0x0;
	s11 =	simm.s32 $0x200  }
.LBB2_2:
0x22: {  	p0 =	sne.s32 s11, $0x7E00;
	[tilespmem:s9+$0xD070] =	vst v0  }
0x23: {  	[tilespmem:s9+$0xD000] =	vst v0  }
0x24: {  	[tilespmem:s9+$0xD010] =	vst v0  }
.Ltmp0:
0x25: {  	[tilespmem:s9+$0xD020] =	vst v0;
	(pc) =	sbr.rel @p0 .LBB2_2-.Ltmp0, $4  }
0x26: {  	[tilespmem:s9+$0xD030] =	vst v0  }
0x27: {  	[tilespmem:s9+$0xD040] =	vst v0  }
0x28: {  	[tilespmem:s9+$0xD050] =	vst v0  }
0x29: {  	[tilespmem:s9+$0xD060] =	vst v0;
	s9 =	sshra.s32 s11, $0x2;
	s11 =	sadd.s32 $0x200, s11  }
0x2a: {  	[tilespmem:s9+$0xD070] =	vst v0  }
0x2b: {  	[tilespmem:s9+$0xD000] =	vst v0  }
0x2c: {  	[tilespmem:s9+$0xD010] =	vst v0  }
0x2d: {  	[tilespmem:s9+$0xD020] =	vst v0  }
0x2e: {  	[tilespmem:s9+$0xD030] =	vst v0  }
0x2f: {  	[tilespmem:s9+$0xD040] =	vst v0  }
0x30: {  	[tilespmem:s9+$0xD050] =	vst v0  }
0x31: {  	[tilespmem:s9+$0xD060] =	vst v0;
	s14 =	simm.s32 $0x0;
	s11 =	simm.s32 $0x4000;
	s12 =	rddreg [dreg:$0x5]  }
0x32: {  	[tilespmem:s11], [sflag:$0x3] =	stream.linear.gather [hbm4b:s12+s14], $0x3E80, $0x38;
	[tilespmem:$0x19000] =	vst v63  }
0x33: {  	_ =	swait.ge [sflag:s29], $0x3E80  }
0x34: {  	[sflag:s29] =	ssyncset.done $0x0  }
0x35: {  	s15 =	rddreg [dreg:$0x6];
	[sflag:s29] =	ssyncadd.s32 $0xFFFFC180  }
0x36: {  	[tilespmem:s14], [sflag:$0x3] =	stream.linear.gather [hbm4b:s15+s14], $0x3E80, $0x38;
	[tilespmem:$0x19000] =	vst v63  }
0x37: {  	_ =	swait.ge [sflag:s29], $0x3E80  }
0x38: {  	[sflag:s29] =	ssyncset.done $0x0  }
0x39: {  	[sflag:s29] =	ssyncadd.s32 $0xFFFFC180  }
0x3a: {  	[spmem:s7] =	stream.linear.scatter [tilespmem:s30], [sflag:$0x3], $0x2000, $0x38;
	[tilespmem:$0x19000] =	vst v63  }
0x3b: {  	_ =	swait.ge [sflag:s29], $0x2000  }
0x3c: {  	[sflag:s29] =	ssyncset.done $0x0  }
0x3d: {  	[sflag:s29] =	ssyncadd.s32 $0xFFFFE000  }
0x3e: {  	[spmem:s10] =	stream.linear.scatter [tilespmem:s30], [sflag:$0x3], $0x2000, $0x38;
	[tilespmem:$0x19000] =	vst v63  }
0x3f: {  	_ =	swait.ge [sflag:s29], $0x2000  }
0x40: {  	[sflag:s29] =	ssyncset.done $0x0  }
0x41: {  	[sflag:s29] =	ssyncadd.s32 $0xFFFFE000  }
0x42: {  	[spmem:s21] =	stream.linear.scatter [tilespmem:s30], [sflag:$0x3], $0x2000, $0x38;
	[tilespmem:$0x19000] =	vst v63  }
0x43: {  	_ =	swait.ge [sflag:s29], $0x2000  }
0x44: {  	[sflag:s29] =	ssyncset.done $0x0  }
0x45: {  	[sflag:s29] =	ssyncadd.s32 $0xFFFFE000  }
0x46: {  	[spmem:s26] =	stream.linear.scatter [tilespmem:s30], [sflag:$0x3], $0x2000, $0x38;
	[tilespmem:$0x19000] =	vst v63  }
0x47: {  	_ =	swait.ge [sflag:s29], $0x2000  }
0x48: {  	[sflag:s29] =	ssyncset.done $0x0  }
0x49: {  	[sflag:s29] =	ssyncadd.s32 $0xFFFFE000  }
0x4a: {  	[spmem:s28] =	stream.linear.scatter [tilespmem:s30], [sflag:$0x3], $0x2000, $0x38;
	[tilespmem:$0x19000] =	vst v63  }
0x4b: {  	_ =	swait.ge [sflag:s29], $0x2000  }
0x4c: {  	[sflag:s29] =	ssyncset.done $0x0  }
0x4d: {  	s9 =	sand.u32 $0x1, s14;
	s12 =	simm.s32 $0x80;
	[sflag:s29] =	ssyncadd.s32 $0xFFFFE000  }
0x4e: {  	p0 =	seq.s32 s9, $0x1;
	p1 =	seq.s32 s9, $0x0;
	[bflag:$0x0] =	sbarrier.arrive $0xFFFF  }
0x4f: {  	[tilespmem:s0], [sflag:$0x1] =	stream.indirect.gather [hbm4b:s1+s31], $0x80, s14, s31, $0xb8;
	[tilespmem:$0x19000] =	vst v63  }
0x50: {  	p2 =	sne.s32 s9, $0x0;
	s13 =	simm.s32 @!p0 $0x50;
	s14 =	simm.s32 @!p0 $0xA800  }
0x51: {  	[tilespmem:s14], [sflag:$0x2] =	stream.indirect.gather @!p0 [hbm4b:s1+s13], $0x80, s12, s13, $0xb8;
	[tilespmem:$0x19000] =	vst v63  }
0x52: {  	s9 =	simm.s32 @!p2 $0x1;
	s13 =	simm.s32 @!p1 $0x50;
	s14 =	simm.s32 @!p1 $0x8000  }
0x53: {  	[tilespmem:s14], [sflag:$0x1] =	stream.indirect.gather @!p1 [hbm4b:s1+s13], $0x80, s12, s13, $0xb8;
	[tilespmem:$0x19000] =	vst v63  }
0x54: {  	_ =	swait.ge @!p2 [sflag:s9], $0x2800  }
0x55: {  	s12 =	simm.s32 @!p2 $0x50;
	[sflag:s9] =	ssyncset.done @!p2 $0x0  }
0x56: {  	s13 =	simm.s32 @!p2 $0x8000;
	[sflag:s9] =	ssyncadd.s32 @!p2 $0xFFFFD800;
	s9 =	simm.s32 @!p2 $0x4  }
0x57: {  	[spmem:s3] =	stream.indirect.scatter.add.f32 @!p2 [tilespmem:s13], [sflag:$0x4], $0x80, s11, s12, $0xb8;
	[tilespmem:$0x19000] =	vst v63  }
0x58: {  	_ =	swait.ge @!p2 [sflag:s9], $0x2800  }
0x59: {  	p0 =	por p0, p0;
	[sflag:s9] =	ssyncset.done @!p2 $0x0  }
0x5a: {  	s12 =	simm.s32 @p0 $0x2;
	[sflag:s9] =	ssyncadd.s32 @!p2 $0xFFFFD800  }
0x5b: {  	_ =	swait.ge @p0 [sflag:s12], $0x2800  }
0x5c: {  	s16 =	simm.s32 $0x1;
	[sflag:s12] =	ssyncset.done @p0 $0x0  }
0x5d: {  	s14 =	simm.s32 @p0 $0xA800;
	s13 =	simm.s32 @p0 $0x50;
	[sflag:s12] =	ssyncadd.s32 @p0 $0xFFFFD800  }
0x5e: {  	[spmem:s3] =	stream.indirect.scatter.add.f32 @p0 [tilespmem:s14], [sflag:$0x3], $0x80, s11, s13, $0xb8;
	[tilespmem:$0x19000] =	vst v63  }
0x5f: {  	s9 =	simm.s32 $0x4080;
	s12 =	simm.s32 $0x2;
	s14 =	simm.s32 @p0 $0x3  }
0x60: {  	s11 =	simm.s32 $0x100;
	s13 =	sand.u32 $0x1, s16;
	_ =	swait.ge @p0 [sflag:s14], $0x2800  }
.LBB2_4:
0x61: {  	p3 =	seq.s32 s13, $0x1;
	p1 =	seq.s32 s13, $0x0;
	[sflag:s14] =	ssyncset.done @p0 $0x0  }
0x62: {  	s15 =	simm.s32 @!p3 $0x50;
	s16 =	simm.s32 @!p3 $0xA800;
	[sflag:s14] =	ssyncadd.s32 @p0 $0xFFFFD800  }
0x63: {  	[tilespmem:s16], [sflag:$0x2] =	stream.indirect.gather @!p3 [hbm4b:s1+s15], $0x80, s11, s15, $0xb8;
	[tilespmem:$0x19000] =	vst v63  }
0x64: {  	p2 =	sne.s32 s13, $0x0;
	s14 =	simm.s32 @!p1 $0x50;
	s15 =	simm.s32 @!p1 $0x8000  }
0x65: {  	[tilespmem:s15], [sflag:$0x1] =	stream.indirect.gather @!p1 [hbm4b:s1+s14], $0x80, s11, s14, $0xb8;
	[tilespmem:$0x19000] =	vst v63  }
0x66: {  	s13 =	simm.s32 @!p2 $0x1;
	s15 =	smov.u32 s12;
	s12 =	sadd.s32 $0x1, s12  }
0x67: {  	p0 =	por p3, p3;
	p1 =	sne.s32 s12, $0x7C;
	_ =	swait.ge @!p2 [sflag:s13], $0x2800  }
0x68: {  	s16 =	simm.s32 @!p2 $0x8000;
	s14 =	simm.s32 @!p2 $0x50;
	[sflag:s13] =	ssyncset.done @!p2 $0x0  }
0x69: {  	[sflag:s13] =	ssyncadd.s32 @!p2 $0xFFFFD800;
	s13 =	simm.s32 @!p2 $0x4  }
0x6a: {  	[spmem:s3] =	stream.indirect.scatter.add.f32 @!p2 [tilespmem:s16], [sflag:$0x4], $0x80, s9, s14, $0xb8;
	[tilespmem:$0x19000] =	vst v63  }
0x6b: {  	_ =	swait.ge @!p2 [sflag:s13], $0x2800  }
0x6c: {  	s14 =	simm.s32 @p0 $0x2;
	[sflag:s13] =	ssyncset.done @!p2 $0x0  }
0x6d: {  	[sflag:s13] =	ssyncadd.s32 @!p2 $0xFFFFD800  }
.Ltmp1:
0x6e: {  	_ =	swait.ge @p0 [sflag:s14], $0x2800;
	(pc) =	sbr.rel @p1 .LBB2_4-.Ltmp1, $4  }
0x6f: {  	s16 =	simm.s32 @p0 $0xA800;
	s13 =	simm.s32 @p0 $0x50;
	[sflag:s14] =	ssyncset.done @p0 $0x0  }
0x70: {  	s11 =	sadd.s32 $0x80, s11;
	[sflag:s14] =	ssyncadd.s32 @p0 $0xFFFFD800;
	s14 =	simm.s32 @p0 $0x3  }
0x71: {  	[spmem:s3] =	stream.indirect.scatter.add.f32 @p0 [tilespmem:s16], [sflag:$0x3], $0x80, s9, s13, $0xb8;
	[tilespmem:$0x19000] =	vst v63  }
0x72: {  	s13 =	sand.u32 $0x1, s15;
	s9 =	sadd.s32 $0x80, s9;
	_ =	swait.ge @p0 [sflag:s14], $0x2800  }
0x73: {  	p1 =	seq.s32 s13, $0x1;
	p2 =	seq.s32 s13, $0x0;
	[sflag:s14] =	ssyncset.done @p0 $0x0  }
0x74: {  	s12 =	simm.s32 @!p1 $0x50;
	s15 =	simm.s32 @!p1 $0xA800;
	[sflag:s14] =	ssyncadd.s32 @p0 $0xFFFFD800  }
0x75: {  	[tilespmem:s15], [sflag:$0x2] =	stream.indirect.gather @!p1 [hbm4b:s1+s12], $0x80, s11, s12, $0xb8;
	[tilespmem:$0x19000] =	vst v63  }
0x76: {  	s14 =	simm.s32 @!p2 $0x8000;
	p0 =	sne.s32 s13, $0x0;
	s12 =	simm.s32 @!p2 $0x50  }
0x77: {  	[tilespmem:s14], [sflag:$0x1] =	stream.indirect.gather @!p2 [hbm4b:s1+s12], $0x80, s11, s12, $0xb8;
	[tilespmem:$0x19000] =	vst v63  }
0x78: {  	s11 =	simm.s32 @!p0 $0x1  }
0x79: {  	_ =	swait.ge @!p0 [sflag:s11], $0x2800  }
0x7a: {  	s13 =	simm.s32 @!p0 $0x8000;
	[sflag:s11] =	ssyncset.done @!p0 $0x0  }
0x7b: {  	s12 =	simm.s32 @!p0 $0x50;
	[sflag:s11] =	ssyncadd.s32 @!p0 $0xFFFFD800;
	s11 =	simm.s32 @!p0 $0x4  }
0x7c: {  	[spmem:s3] =	stream.indirect.scatter.add.f32 @!p0 [tilespmem:s13], [sflag:$0x4], $0x80, s9, s12, $0xb8;
	[tilespmem:$0x19000] =	vst v63  }
0x7d: {  	_ =	swait.ge @!p0 [sflag:s11], $0x2800  }
0x7e: {  	p1 =	por p1, p1;
	[sflag:s11] =	ssyncset.done @!p0 $0x0  }
0x7f: {  	s12 =	simm.s32 @p1 $0x2;
	[sflag:s11] =	ssyncadd.s32 @!p0 $0xFFFFD800  }
0x80: {  	_ =	swait.ge @p1 [sflag:s12], $0x2800  }
0x81: {  	s13 =	simm.s32 @p1 $0xA800;
	[sflag:s12] =	ssyncset.done @p1 $0x0  }
0x82: {  	s11 =	simm.s32 @p1 $0x50;
	[sflag:s12] =	ssyncadd.s32 @p1 $0xFFFFD800;
	s12 =	simm.s32 @p1 $0x3  }
0x83: {  	[spmem:s3] =	stream.indirect.scatter.add.f32 @p1 [tilespmem:s13], [sflag:$0x3], $0x80, s9, s11, $0xb8;
	[tilespmem:$0x19000] =	vst v63  }
0x84: {  	_ =	swait.ge @p1 [sflag:s12], $0x2800  }
0x85: {  	[sflag:s12] =	ssyncset.done @p1 $0x0  }
0x86: {  	[sflag:s12] =	ssyncadd.s32 @p1 $0xFFFFD800  }
0x87: {  	_ =	swait.ge [sflag:s2], $0x2800  }
0x88: {  	[sflag:s2] =	ssyncset.done $0x0  }
0x89: {  	[sflag:s2] =	ssyncadd.s32 $0xFFFFD800  }
0x8a: {  	[spmem:s3] =	stream.indirect.scatter.add.f32 [tilespmem:s0], [sflag:$0x4], $0x80, s5, s31, $0xb8;
	[tilespmem:$0x19000] =	vst v63  }
0x8b: {  	_ =	swait.ge [sflag:s6], $0x2800  }
0x8c: {  	[sflag:s6] =	ssyncset.done $0x0  }
0x8d: {  	[sflag:s6] =	ssyncadd.s32 $0xFFFFD800  }
0x8e: {  	[bflag:$0x0] =	sbarrier.arrive $0xFFFF  }
0x8f: {  	[tilespmem:s30], [sflag:$0x3] =	stream.linear.gather [spmem:s7], $0x2000, $0x38;
	[tilespmem:$0x19000] =	vst v63  }
0x90: {  	_ =	swait.ge [sflag:s29], $0x2000  }
0x91: {  	[sflag:s29] =	ssyncset.done $0x0  }
0x92: {  	s9 =	simm.s32 $0x0;
	s12 =	rddreg [dreg:$0x9];
	[sflag:s29] =	ssyncadd.s32 $0xFFFFE000  }
0x93: {  	[hbm4b:s12+s9] =	stream.linear.scatter [tilespmem:s30], [sflag:$0x3], $0x2000, $0x38;
	[tilespmem:$0x19000] =	vst v63  }
0x94: {  	_ =	swait.ge [sflag:s29], $0x2000  }
0x95: {  	[sflag:s29] =	ssyncset.done $0x0  }
0x96: {  	[sflag:s29] =	ssyncadd.s32 $0xFFFFE000  }
0x97: {  	[tilespmem:s30], [sflag:$0x3] =	stream.linear.gather [spmem:s22], $0x2000, $0x38;
	[tilespmem:$0x19000] =	vst v63  }
0x98: {  	_ =	swait.ge [sflag:s29], $0x2000  }
0x99: {  	[sflag:s29] =	ssyncset.done $0x0  }
0x9a: {  	s13 =	rddreg [dreg:$0xa];
	[sflag:s29] =	ssyncadd.s32 $0xFFFFE000  }
0x9b: {  	[hbm4b:s13+s9] =	stream.linear.scatter [tilespmem:s30], [sflag:$0x3], $0x2000, $0x38;
	[tilespmem:$0x19000] =	vst v63  }
0x9c: {  	_ =	swait.ge [sflag:s29], $0x2000  }
0x9d: {  	[sflag:s29] =	ssyncset.done $0x0  }
0x9e: {  	[sflag:s29] =	ssyncadd.s32 $0xFFFFE000  }
0x9f: {  	[tilespmem:s30], [sflag:$0x3] =	stream.linear.gather [spmem:s23], $0x2000, $0x38;
	[tilespmem:$0x19000] =	vst v63  }
0xa0: {  	_ =	swait.ge [sflag:s29], $0x2000  }
0xa1: {  	[sflag:s29] =	ssyncset.done $0x0  }
0xa2: {  	s14 =	rddreg [dreg:$0xb];
	[sflag:s29] =	ssyncadd.s32 $0xFFFFE000  }
0xa3: {  	[hbm4b:s14+s9] =	stream.linear.scatter [tilespmem:s30], [sflag:$0x3], $0x2000, $0x38;
	[tilespmem:$0x19000] =	vst v63  }
0xa4: {  	_ =	swait.ge [sflag:s29], $0x2000  }
0xa5: {  	[sflag:s29] =	ssyncset.done $0x0  }
0xa6: {  	[sflag:s29] =	ssyncadd.s32 $0xFFFFE000  }
0xa7: {  	[tilespmem:s30], [sflag:$0x3] =	stream.linear.gather [spmem:s24], $0x2000, $0x38;
	[tilespmem:$0x19000] =	vst v63  }
0xa8: {  	_ =	swait.ge [sflag:s29], $0x2000  }
0xa9: {  	[sflag:s29] =	ssyncset.done $0x0  }
0xaa: {  	s15 =	rddreg [dreg:$0xc];
	[sflag:s29] =	ssyncadd.s32 $0xFFFFE000  }
0xab: {  	[hbm4b:s15+s9] =	stream.linear.scatter [tilespmem:s30], [sflag:$0x3], $0x2000, $0x38;
	[tilespmem:$0x19000] =	vst v63  }
0xac: {  	_ =	swait.ge [sflag:s29], $0x2000  }
0xad: {  	[sflag:s29] =	ssyncset.done $0x0  }
0xae: {  	[sflag:s29] =	ssyncadd.s32 $0xFFFFE000  }
0xaf: {  	[tilespmem:s30], [sflag:$0x3] =	stream.linear.gather [spmem:s25], $0x2000, $0x38;
	[tilespmem:$0x19000] =	vst v63  }
0xb0: {  	_ =	swait.ge [sflag:s29], $0x2000  }
0xb1: {  	[sflag:s29] =	ssyncset.done $0x0  }
0xb2: {  	s16 =	rddreg [dreg:$0xd];
	[sflag:s29] =	ssyncadd.s32 $0xFFFFE000  }
0xb3: {  	[hbm4b:s16+s9] =	stream.linear.scatter [tilespmem:s30], [sflag:$0x3], $0x2000, $0x38;
	[tilespmem:$0x19000] =	vst v63  }
0xb4: {  	_ =	swait.ge [sflag:s29], $0x2000  }
0xb5: {  	[sflag:s29] =	ssyncset.done $0x0  }
0xb6: {  	s11 =	simm.s32 $0x200;
	s9 =	simm.s32 $0x0;
	[sflag:s29] =	ssyncadd.s32 $0xFFFFE000  }
.LBB2_6:
0xb7: {  	p0 =	sne.s32 s11, $0x7E00;
	[tilespmem:s9+$0xD070] =	vst v0  }
0xb8: {  	[tilespmem:s9+$0xD000] =	vst v0  }
0xb9: {  	[tilespmem:s9+$0xD010] =	vst v0  }
.Ltmp2:
0xba: {  	[tilespmem:s9+$0xD020] =	vst v0;
	(pc) =	sbr.rel @p0 .LBB2_6-.Ltmp2, $4  }
0xbb: {  	[tilespmem:s9+$0xD030] =	vst v0  }
0xbc: {  	[tilespmem:s9+$0xD040] =	vst v0  }
0xbd: {  	[tilespmem:s9+$0xD050] =	vst v0  }
0xbe: {  	[tilespmem:s9+$0xD060] =	vst v0;
	s9 =	sshra.s32 s11, $0x2;
	s11 =	sadd.s32 $0x200, s11  }
0xbf: {  	[tilespmem:s9+$0xD070] =	vst v0  }
0xc0: {  	[tilespmem:s9+$0xD000] =	vst v0  }
0xc1: {  	[tilespmem:s9+$0xD010] =	vst v0  }
0xc2: {  	[tilespmem:s9+$0xD020] =	vst v0  }
0xc3: {  	[tilespmem:s9+$0xD030] =	vst v0  }
0xc4: {  	[tilespmem:s9+$0xD040] =	vst v0  }
0xc5: {  	[tilespmem:s9+$0xD050] =	vst v0  }
0xc6: {  	[tilespmem:s9+$0xD060] =	vst v0;
	s15 =	simm.s32 $0x0;
	s11 =	rddreg [dreg:$0x7]  }
0xc7: {  	[tilespmem:s15], [sflag:$0x3] =	stream.linear.gather [hbm4b:s11+s15], $0x3E80, $0x38;
	[tilespmem:$0x19000] =	vst v63  }
0xc8: {  	_ =	swait.ge [sflag:s29], $0x3E80  }
0xc9: {  	[sflag:s29] =	ssyncset.done $0x0  }
0xca: {  	[sflag:s29] =	ssyncadd.s32 $0xFFFFC180  }
0xcb: {  	[spmem:s7] =	stream.linear.scatter [tilespmem:s30], [sflag:$0x3], $0x2000, $0x38;
	[tilespmem:$0x19000] =	vst v63  }
0xcc: {  	_ =	swait.ge [sflag:s29], $0x2000  }
0xcd: {  	[sflag:s29] =	ssyncset.done $0x0  }
0xce: {  	[sflag:s29] =	ssyncadd.s32 $0xFFFFE000  }
0xcf: {  	[spmem:s10] =	stream.linear.scatter [tilespmem:s30], [sflag:$0x3], $0x2000, $0x38;
	[tilespmem:$0x19000] =	vst v63  }
0xd0: {  	_ =	swait.ge [sflag:s29], $0x2000  }
0xd1: {  	[sflag:s29] =	ssyncset.done $0x0  }
0xd2: {  	[sflag:s29] =	ssyncadd.s32 $0xFFFFE000  }
0xd3: {  	[spmem:s21] =	stream.linear.scatter [tilespmem:s30], [sflag:$0x3], $0x2000, $0x38;
	[tilespmem:$0x19000] =	vst v63  }
0xd4: {  	_ =	swait.ge [sflag:s29], $0x2000  }
0xd5: {  	[sflag:s29] =	ssyncset.done $0x0  }
0xd6: {  	[sflag:s29] =	ssyncadd.s32 $0xFFFFE000  }
0xd7: {  	[spmem:s26] =	stream.linear.scatter [tilespmem:s30], [sflag:$0x3], $0x2000, $0x38;
	[tilespmem:$0x19000] =	vst v63  }
0xd8: {  	_ =	swait.ge [sflag:s29], $0x2000  }
0xd9: {  	[sflag:s29] =	ssyncset.done $0x0  }
0xda: {  	[sflag:s29] =	ssyncadd.s32 $0xFFFFE000  }
0xdb: {  	[spmem:s28] =	stream.linear.scatter [tilespmem:s30], [sflag:$0x3], $0x2000, $0x38;
	[tilespmem:$0x19000] =	vst v63  }
0xdc: {  	_ =	swait.ge [sflag:s29], $0x2000  }
0xdd: {  	[sflag:s29] =	ssyncset.done $0x0  }
0xde: {  	s9 =	sand.u32 $0x1, s15;
	s11 =	simm.s32 $0x80;
	[sflag:s29] =	ssyncadd.s32 $0xFFFFE000  }
0xdf: {  	p0 =	seq.s32 s9, $0x1;
	p2 =	seq.s32 s9, $0x0;
	[bflag:$0x0] =	sbarrier.arrive $0xFFFF  }
0xe0: {  	[tilespmem:s0], [sflag:$0x1] =	stream.indirect.gather [hbm4b:s1+s31], $0x80, s15, s31, $0xb8;
	[tilespmem:$0x19000] =	vst v63  }
0xe1: {  	p1 =	sne.s32 s9, $0x0;
	s12 =	simm.s32 @!p0 $0x50;
	s13 =	simm.s32 @!p0 $0xA800  }
0xe2: {  	[tilespmem:s13], [sflag:$0x2] =	stream.indirect.gather @!p0 [hbm4b:s1+s12], $0x80, s11, s12, $0xb8;
	[tilespmem:$0x19000] =	vst v63  }
0xe3: {  	s9 =	simm.s32 @!p1 $0x1;
	s12 =	simm.s32 @!p2 $0x50;
	s13 =	simm.s32 @!p2 $0x8000  }
0xe4: {  	[tilespmem:s13], [sflag:$0x1] =	stream.indirect.gather @!p2 [hbm4b:s1+s12], $0x80, s11, s12, $0xb8;
	[tilespmem:$0x19000] =	vst v63  }
0xe5: {  	_ =	swait.ge @!p1 [sflag:s9], $0x2800  }
0xe6: {  	s11 =	simm.s32 $0x4000;
	s12 =	simm.s32 @!p1 $0x50;
	[sflag:s9] =	ssyncset.done @!p1 $0x0  }
0xe7: {  	s13 =	simm.s32 @!p1 $0x8000;
	[sflag:s9] =	ssyncadd.s32 @!p1 $0xFFFFD800;
	s9 =	simm.s32 @!p1 $0x4  }
0xe8: {  	[spmem:s3] =	stream.indirect.scatter.add.f32 @!p1 [tilespmem:s13], [sflag:$0x4], $0x80, s11, s12, $0xb8;
	[tilespmem:$0x19000] =	vst v63  }
0xe9: {  	_ =	swait.ge @!p1 [sflag:s9], $0x2800  }
0xea: {  	p0 =	por p0, p0;
	[sflag:s9] =	ssyncset.done @!p1 $0x0  }
0xeb: {  	s12 =	simm.s32 @p0 $0x2;
	[sflag:s9] =	ssyncadd.s32 @!p1 $0xFFFFD800  }
0xec: {  	_ =	swait.ge @p0 [sflag:s12], $0x2800  }
0xed: {  	s16 =	simm.s32 $0x1;
	[sflag:s12] =	ssyncset.done @p0 $0x0  }
0xee: {  	s14 =	simm.s32 @p0 $0xA800;
	s13 =	simm.s32 @p0 $0x50;
	[sflag:s12] =	ssyncadd.s32 @p0 $0xFFFFD800  }
0xef: {  	[spmem:s3] =	stream.indirect.scatter.add.f32 @p0 [tilespmem:s14], [sflag:$0x3], $0x80, s11, s13, $0xb8;
	[tilespmem:$0x19000] =	vst v63  }
0xf0: {  	s9 =	simm.s32 $0x4080;
	s12 =	simm.s32 $0x2;
	s14 =	simm.s32 @p0 $0x3  }
0xf1: {  	s11 =	simm.s32 $0x100;
	s13 =	sand.u32 $0x1, s16;
	_ =	swait.ge @p0 [sflag:s14], $0x2800  }
.LBB2_8:
0xf2: {  	p3 =	seq.s32 s13, $0x1;
	p1 =	seq.s32 s13, $0x0;
	[sflag:s14] =	ssyncset.done @p0 $0x0  }
0xf3: {  	s15 =	simm.s32 @!p3 $0x50;
	s16 =	simm.s32 @!p3 $0xA800;
	[sflag:s14] =	ssyncadd.s32 @p0 $0xFFFFD800  }
0xf4: {  	[tilespmem:s16], [sflag:$0x2] =	stream.indirect.gather @!p3 [hbm4b:s1+s15], $0x80, s11, s15, $0xb8;
	[tilespmem:$0x19000] =	vst v63  }
0xf5: {  	p2 =	sne.s32 s13, $0x0;
	s14 =	simm.s32 @!p1 $0x50;
	s15 =	simm.s32 @!p1 $0x8000  }
0xf6: {  	[tilespmem:s15], [sflag:$0x1] =	stream.indirect.gather @!p1 [hbm4b:s1+s14], $0x80, s11, s14, $0xb8;
	[tilespmem:$0x19000] =	vst v63  }
0xf7: {  	s13 =	simm.s32 @!p2 $0x1;
	s15 =	smov.u32 s12;
	s12 =	sadd.s32 $0x1, s12  }
0xf8: {  	p0 =	por p3, p3;
	p1 =	sne.s32 s12, $0x7C;
	_ =	swait.ge @!p2 [sflag:s13], $0x2800  }
0xf9: {  	s16 =	simm.s32 @!p2 $0x8000;
	s14 =	simm.s32 @!p2 $0x50;
	[sflag:s13] =	ssyncset.done @!p2 $0x0  }
0xfa: {  	[sflag:s13] =	ssyncadd.s32 @!p2 $0xFFFFD800;
	s13 =	simm.s32 @!p2 $0x4  }
0xfb: {  	[spmem:s3] =	stream.indirect.scatter.add.f32 @!p2 [tilespmem:s16], [sflag:$0x4], $0x80, s9, s14, $0xb8;
	[tilespmem:$0x19000] =	vst v63  }
0xfc: {  	_ =	swait.ge @!p2 [sflag:s13], $0x2800  }
0xfd: {  	s14 =	simm.s32 @p0 $0x2;
	[sflag:s13] =	ssyncset.done @!p2 $0x0  }
0xfe: {  	[sflag:s13] =	ssyncadd.s32 @!p2 $0xFFFFD800  }
.Ltmp3:
0xff: {  	_ =	swait.ge @p0 [sflag:s14], $0x2800;
	(pc) =	sbr.rel @p1 .LBB2_8-.Ltmp3, $4  }
0x100: {  	s16 =	simm.s32 @p0 $0xA800;
	s13 =	simm.s32 @p0 $0x50;
	[sflag:s14] =	ssyncset.done @p0 $0x0  }
0x101: {  	s11 =	sadd.s32 $0x80, s11;
	[sflag:s14] =	ssyncadd.s32 @p0 $0xFFFFD800;
	s14 =	simm.s32 @p0 $0x3  }
0x102: {  	[spmem:s3] =	stream.indirect.scatter.add.f32 @p0 [tilespmem:s16], [sflag:$0x3], $0x80, s9, s13, $0xb8;
	[tilespmem:$0x19000] =	vst v63  }
0x103: {  	s13 =	sand.u32 $0x1, s15;
	s9 =	sadd.s32 $0x80, s9;
	_ =	swait.ge @p0 [sflag:s14], $0x2800  }
0x104: {  	p1 =	seq.s32 s13, $0x1;
	p2 =	seq.s32 s13, $0x0;
	[sflag:s14] =	ssyncset.done @p0 $0x0  }
0x105: {  	s12 =	simm.s32 @!p1 $0x50;
	[sflag:s14] =	ssyncadd.s32 @p0 $0xFFFFD800;
	s14 =	simm.s32 @!p1 $0xA800  }
0x106: {  	[tilespmem:s14], [sflag:$0x2] =	stream.indirect.gather @!p1 [hbm4b:s1+s12], $0x80, s11, s12, $0xb8;
	[tilespmem:$0x19000] =	vst v63  }
0x107: {  	p0 =	sne.s32 s13, $0x0;
	s12 =	simm.s32 @!p2 $0x50;
	s14 =	simm.s32 @!p2 $0x8000  }
0x108: {  	[tilespmem:s14], [sflag:$0x1] =	stream.indirect.gather @!p2 [hbm4b:s1+s12], $0x80, s11, s12, $0xb8;
	[tilespmem:$0x19000] =	vst v63  }
0x109: {  	s11 =	simm.s32 @!p0 $0x1  }
0x10a: {  	_ =	swait.ge @!p0 [sflag:s11], $0x2800  }
0x10b: {  	[sflag:s11] =	ssyncset.done @!p0 $0x0  }
0x10c: {  	s12 =	simm.s32 @!p0 $0x50;
	[sflag:s11] =	ssyncadd.s32 @!p0 $0xFFFFD800;
	s11 =	simm.s32 @!p0 $0x8000  }
0x10d: {  	[spmem:s3] =	stream.indirect.scatter.add.f32 @!p0 [tilespmem:s11], [sflag:$0x4], $0x80, s9, s12, $0xb8;
	[tilespmem:$0x19000] =	vst v63  }
0x10e: {  	s11 =	simm.s32 @!p0 $0x4  }
0x10f: {  	_ =	swait.ge @!p0 [sflag:s11], $0x2800  }
0x110: {  	p1 =	por p1, p1;
	[sflag:s11] =	ssyncset.done @!p0 $0x0  }
0x111: {  	s12 =	simm.s32 @p1 $0x2;
	[sflag:s11] =	ssyncadd.s32 @!p0 $0xFFFFD800  }
0x112: {  	_ =	swait.ge @p1 [sflag:s12], $0x2800  }
0x113: {  	[sflag:s12] =	ssyncset.done @p1 $0x0  }
0x114: {  	s11 =	simm.s32 @p1 $0x50;
	[sflag:s12] =	ssyncadd.s32 @p1 $0xFFFFD800;
	s12 =	simm.s32 @p1 $0xA800  }
0x115: {  	[spmem:s3] =	stream.indirect.scatter.add.f32 @p1 [tilespmem:s12], [sflag:$0x3], $0x80, s9, s11, $0xb8;
	[tilespmem:$0x19000] =	vst v63  }
0x116: {  	s9 =	simm.s32 @p1 $0x3  }
0x117: {  	_ =	swait.ge @p1 [sflag:s9], $0x2800  }
0x118: {  	[sflag:s9] =	ssyncset.done @p1 $0x0  }
0x119: {  	[sflag:s9] =	ssyncadd.s32 @p1 $0xFFFFD800  }
0x11a: {  	_ =	swait.ge [sflag:s2], $0x2800  }
0x11b: {  	[sflag:s2] =	ssyncset.done $0x0  }
0x11c: {  	[sflag:s2] =	ssyncadd.s32 $0xFFFFD800  }
0x11d: {  	[spmem:s3] =	stream.indirect.scatter.add.f32 [tilespmem:s0], [sflag:$0x4], $0x80, s5, s31, $0xb8;
	[tilespmem:$0x19000] =	vst v63  }
0x11e: {  	_ =	swait.ge [sflag:s6], $0x2800  }
0x11f: {  	[sflag:s6] =	ssyncset.done $0x0  }
0x120: {  	[sflag:s6] =	ssyncadd.s32 $0xFFFFD800  }
0x121: {  	[bflag:$0x0] =	sbarrier.arrive $0xFFFF  }
0x122: {  	[tilespmem:s30], [sflag:$0x3] =	stream.linear.gather [spmem:s7], $0x2000, $0x38;
	[tilespmem:$0x19000] =	vst v63  }
0x123: {  	_ =	swait.ge [sflag:s29], $0x2000  }
0x124: {  	[sflag:s29] =	ssyncset.done $0x0  }
0x125: {  	s15 =	rddreg [dreg:$0xe];
	[sflag:s29] =	ssyncadd.s32 $0xFFFFE000  }
0x126: {  	[hbm4b:s15+s4] =	stream.linear.scatter [tilespmem:s30], [sflag:$0x3], $0x2000, $0x38;
	[tilespmem:$0x19000] =	vst v63  }
0x127: {  	_ =	swait.ge [sflag:s29], $0x2000  }
0x128: {  	[sflag:s29] =	ssyncset.done $0x0  }
0x129: {  	[sflag:s29] =	ssyncadd.s32 $0xFFFFE000  }
0x12a: {  	[tilespmem:s30], [sflag:$0x3] =	stream.linear.gather [spmem:s22], $0x2000, $0x38;
	[tilespmem:$0x19000] =	vst v63  }
0x12b: {  	_ =	swait.ge [sflag:s29], $0x2000  }
0x12c: {  	[sflag:s29] =	ssyncset.done $0x0  }
0x12d: {  	[sflag:s29] =	ssyncadd.s32 $0xFFFFE000  }
0x12e: {  	[hbm4b:s17+s4] =	stream.linear.scatter [tilespmem:s30], [sflag:$0x3], $0x2000, $0x38;
	[tilespmem:$0x19000] =	vst v63  }
0x12f: {  	_ =	swait.ge [sflag:s29], $0x2000  }
0x130: {  	[sflag:s29] =	ssyncset.done $0x0  }
0x131: {  	[sflag:s29] =	ssyncadd.s32 $0xFFFFE000  }
0x132: {  	[tilespmem:s30], [sflag:$0x3] =	stream.linear.gather [spmem:s23], $0x2000, $0x38;
	[tilespmem:$0x19000] =	vst v63  }
0x133: {  	_ =	swait.ge [sflag:s29], $0x2000  }
0x134: {  	[sflag:s29] =	ssyncset.done $0x0  }
0x135: {  	[sflag:s29] =	ssyncadd.s32 $0xFFFFE000  }
0x136: {  	[hbm4b:s18+s4] =	stream.linear.scatter [tilespmem:s30], [sflag:$0x3], $0x2000, $0x38;
	[tilespmem:$0x19000] =	vst v63  }
0x137: {  	_ =	swait.ge [sflag:s29], $0x2000  }
0x138: {  	[sflag:s29] =	ssyncset.done $0x0  }
0x139: {  	[sflag:s29] =	ssyncadd.s32 $0xFFFFE000  }
0x13a: {  	[tilespmem:s30], [sflag:$0x3] =	stream.linear.gather [spmem:s24], $0x2000, $0x38;
	[tilespmem:$0x19000] =	vst v63  }
0x13b: {  	_ =	swait.ge [sflag:s29], $0x2000  }
0x13c: {  	[sflag:s29] =	ssyncset.done $0x0  }
0x13d: {  	[sflag:s29] =	ssyncadd.s32 $0xFFFFE000  }
0x13e: {  	[hbm4b:s19+s4] =	stream.linear.scatter [tilespmem:s30], [sflag:$0x3], $0x2000, $0x38;
	[tilespmem:$0x19000] =	vst v63  }
0x13f: {  	_ =	swait.ge [sflag:s29], $0x2000  }
0x140: {  	[sflag:s29] =	ssyncset.done $0x0  }
0x141: {  	[sflag:s29] =	ssyncadd.s32 $0xFFFFE000  }
0x142: {  	[tilespmem:s30], [sflag:$0x3] =	stream.linear.gather [spmem:s25], $0x2000, $0x38;
	[tilespmem:$0x19000] =	vst v63  }
0x143: {  	_ =	swait.ge [sflag:s29], $0x2000  }
0x144: {  	[sflag:s29] =	ssyncset.done $0x0  }
0x145: {  	[sflag:s29] =	ssyncadd.s32 $0xFFFFE000  }
0x146: {  	[hbm4b:s20+s4] =	stream.linear.scatter [tilespmem:s30], [sflag:$0x3], $0x2000, $0x38;
	[tilespmem:$0x19000] =	vst v63  }
0x147: {  	_ =	swait.ge [sflag:s29], $0x2000  }
0x148: {  	s8 =	sadd.s32 $0x1, s8;
	s16 =	rddreg [dreg:$0x8]  }
0x149: {  	p0 =	sne.s32 s8, s16  }
.Ltmp4:
0x14a: {  	_ = 	snop;
	(pc) =	sbr.rel @p0 .LBB2_1-.Ltmp4, $3  }
0x14b: {  	_ =	sdelay $0x1  }
0x14c: {  	[sflag:s29] =	ssyncset.done $0x0  }
0x14d: {  	[sflag:s29] =	ssyncadd.s32 $0xFFFFE000  }
0x14e: {  	_ =	sfence.sel $0x180000  }
0x14f: {  	[bflag:$0x0] =	sbarrier.arrive $0xFFFF  }
0x150: {  	_ =	strace $0x90000047  }
0x151: {  	s0 =	stileid.u32;
	[bflag:$0x2] =	sbarrier.arrive $0xFFFF  }
0x152: {  	p0 =	sne.s32 s0, $0x0;
	s0 =	rddreg [dreg:$0x4]  }
0x153: {  	s0 =	sadd.s32 @!p0 $0x100000, s0  }
0x154: {  	[sflag:s0] =	ssyncadd.tile.s32 @!p0 $0x1;
	_ =	shalt  }
.Lfunc_end2:
_tile_overlayer_lowered:
.L_overlay_start_2:
0x155: {  	(tag) =	ssettag $0x2  }
0x156: {  	s0 =	rddreg [dreg:$0x0];
	s2 =	stileid.u32  }
0x157: {  	s1 =	rddreg [dreg:$0x1];
	p0 =	sne.s32 s2, $0x0  }
0x158: {  	s3 =	rddreg [dreg:$0x2];
	[bflag:$0x3] =	sbarrier.arrive $0xFFFF;
	s2 =	simm.s32 @!p0 $0x1C03  }
0x159: {  	[timem:s3], [sflag:s2] =	dma.local @!p0 [hbm:s0], s1  }
0x15a: {  	s0 =	simm.s32 @!p0 $0x3  }
0x15b: {  	_ =	swait.ge @!p0 [sflag:s0], s1  }
0x15c: {  	s1 =	ssub.s32 @!p0 $0x0, s1;
	[sflag:s0] =	ssyncset.done @!p0 $0x0  }
0x15d: {  	[sflag:s0] =	ssyncadd.s32 @!p0 s1  }
0x15e: {  	[bflag:$0x3] =	sbarrier.arrive $0xFFFF  }
0x15f: {  	_ =	shalt  }

</sc_bundles>
